<compile_context>
chip_gen: v7x
topology: tpu7x:2x2x1
jax: 0.10.2.dev20260603
libtpu: 0.0.44.dev20260713+nightly
codegen_flags: <defaults>
</compile_context>

<pallas_src>
import functools

import numpy as np
import jax
import jax.numpy as jnp
from jax import lax
from jax.experimental import pallas as pl
from jax.experimental.pallas import tpu as pltpu
from jax.experimental.pallas import tpu_sc as plsc

_POOL = 16384
_DIM = 1024
_BATCH = 4
_SPARSITY = 0.001
_NNZ = int(_POOL * _POOL * _SPARSITY)

_NTOT = _BATCH * _POOL
_QN = np.float32(1.0 - _SPARSITY) * (np.float32(_NTOT) - np.float32(1.0))
_LOW = int(np.floor(_QN))
_HIGH = int(np.ceil(_QN))
_HW = np.float32(_QN - np.float32(_LOW))
_LW = np.float32(1.0) - _HW
_K_LO = _NTOT - _LOW
_K_HI = _NTOT - _HIGH

_NC = 2
_NS = 16
_NW = _NC * _NS
_EPW = 8384
_W31_BASE = _EPW * (_NW - 1)
_W31_MAIN = (_NNZ - _W31_BASE) // 16 * 16
_TAIL_BASE = _W31_BASE + _W31_MAIN
_TAIL_N = _NNZ - _TAIL_BASE
_BUF = _W31_MAIN + 16
_ITERS = _BUF // 16

_TILES = 8
_TP = _POOL // _TILES
_HP = _POOL // 2


def _mm_sel_body(x_ref, w_ref, b_ref, state_ref, bits_s, a0_s):
    i = pl.program_id(0)
    acc = lax.dot_general(
        x_ref[...], w_ref[...], (((1,), (1,)), ((), ())),
        preferred_element_type=jnp.float32,
    )
    t = acc + b_ref[...][None, :]
    a0_s[:, pl.ds(i * _TP, _TP)] = t[0:1, :]
    t8 = jnp.concatenate([t[:, :_TP // 2], t[:, _TP // 2:]], axis=0)
    bits_s[:, pl.ds(i * (_TP // 2), _TP // 2)] = (
        lax.bitcast_convert_type(jnp.abs(t8), jnp.int32))

    @pl.when(i == _TILES - 1)
    def _select():
        bits = bits_s[...]

        def step(j, p66):
            c66 = p66 + (jnp.int32(1) << (jnp.int32(30) - j))
            n66 = jnp.sum((bits >= c66).astype(jnp.int32))
            return jnp.where(n66 >= _K_HI, c66, p66)

        p66 = lax.fori_loop(0, 31, step, jnp.int32(0))
        bits2 = bits_s[...]
        n_ge = jnp.sum((bits2 >= p66).astype(jnp.int32))
        below_max = jnp.max(jnp.where(bits2 < p66, bits2, jnp.int32(0)))
        p67 = jnp.where(n_ge >= _K_LO, p66, below_max)
        v_lo = lax.bitcast_convert_type(jnp.full((8, 128), p67, jnp.int32),
                                        jnp.float32)
        v_hi = lax.bitcast_convert_type(jnp.full((8, 128), p66, jnp.int32),
                                        jnp.float32)
        thr = jnp.max(v_lo * _LW + v_hi * _HW)
        a0 = a0_s[...]
        state_ref[...] = jnp.where(jnp.abs(a0) > thr, a0, jnp.float32(0.0))


def _matmul_select(x, W, b):
    return pl.pallas_call(
        _mm_sel_body,
        grid=(_TILES,),
        in_specs=[
            pl.BlockSpec((_BATCH, _DIM), lambda i: (0, 0)),
            pl.BlockSpec((_TP, _DIM), lambda i: (i, 0)),
            pl.BlockSpec((_TP,), lambda i: (i,)),
        ],
        out_specs=pl.BlockSpec((1, _POOL), lambda i: (0, 0)),
        out_shape=jax.ShapeDtypeStruct((1, _POOL), jnp.float32),
        scratch_shapes=[
            pltpu.VMEM((8, _HP), jnp.int32),
            pltpu.VMEM((1, _POOL), jnp.float32),
        ],
    )(x, W, b)


def _sc_body(state_hbm, rows_hbm, cols_hbm, vals_hbm, tail_hbm, out_hbm,
             rows_v, cols_v, vals_v, state_v, acc_v, tail_v, sem):
    c = lax.axis_index("c")
    s = lax.axis_index("s")
    wid = s * _NC + c
    is31 = wid == _NW - 1
    base = wid * _EPW
    cp0 = pltpu.async_copy(state_hbm, state_v, sem)
    cp1 = pltpu.async_copy(rows_hbm.at[pl.ds(base, _EPW)], rows_v.at[pl.ds(0, _EPW)], sem)
    cp2 = pltpu.async_copy(cols_hbm.at[pl.ds(base, _EPW)], cols_v.at[pl.ds(0, _EPW)], sem)
    cp3 = pltpu.async_copy(vals_hbm.at[pl.ds(base, _EPW)], vals_v.at[pl.ds(0, _EPW)], sem)

    zeros16i = jnp.zeros((16,), jnp.int32)
    zeros16f = jnp.zeros((16,), jnp.float32)
    for z in range(_EPW, _BUF, 16):
        rows_v[pl.ds(z, 16)] = zeros16i
        cols_v[pl.ds(z, 16)] = zeros16i
        vals_v[pl.ds(z, 16)] = zeros16f

    _EXTRA = _W31_MAIN - _EPW

    @pl.when(is31)
    def _tail():
        pltpu.sync_copy(rows_hbm.at[pl.ds(_W31_BASE + _EPW, _EXTRA)],
                        rows_v.at[pl.ds(_EPW, _EXTRA)])
        pltpu.sync_copy(cols_hbm.at[pl.ds(_W31_BASE + _EPW, _EXTRA)],
                        cols_v.at[pl.ds(_EPW, _EXTRA)])
        pltpu.sync_copy(vals_hbm.at[pl.ds(_W31_BASE + _EPW, _EXTRA)],
                        vals_v.at[pl.ds(_EPW, _EXTRA)])
        pltpu.sync_copy(tail_hbm, tail_v)
        rows_v[pl.ds(_W31_MAIN, 16)] = plsc.bitcast(
            tail_v[pl.ds(0, 16)], jnp.int32)
        cols_v[pl.ds(_W31_MAIN, 16)] = plsc.bitcast(
            tail_v[pl.ds(16, 16)], jnp.int32)
        vals_v[pl.ds(_W31_MAIN, 16)] = tail_v[pl.ds(32, 16)]

    def zstep(i, carry):
        acc_v[pl.ds(i * 16, 16)] = jnp.zeros((16,), jnp.float32)
        return carry

    lax.fori_loop(0, _POOL // 16, zstep, 0, unroll=8)
    cp0.wait()
    cp1.wait()
    cp2.wait()
    cp3.wait()

    def estep(i, carry):
        idx = cols_v[pl.ds(i * 16, 16)]
        g = plsc.load_gather(state_v, [idx])
        contrib = vals_v[pl.ds(i * 16, 16)] * g
        plsc.addupdate_scatter(acc_v, [rows_v[pl.ds(i * 16, 16)]], contrib)
        return carry

    lax.fori_loop(0, _ITERS, estep, 0, unroll=8)

    pltpu.sync_copy(acc_v, out_hbm.at[wid])


def _sc_spmv(state, rows, cols, vals, tail):
    mesh = plsc.VectorSubcoreMesh(core_axis_name="c", subcore_axis_name="s")
    f = pl.kernel(
        _sc_body,
        out_type=jax.ShapeDtypeStruct((_NW, _POOL), jnp.float32),
        mesh=mesh,
        compiler_params=pltpu.CompilerParams(needs_layout_passes=False),
        scratch_types=[
            pltpu.VMEM((_BUF,), jnp.int32),
            pltpu.VMEM((_BUF,), jnp.int32),
            pltpu.VMEM((_BUF,), jnp.float32),
            pltpu.VMEM((_POOL,), jnp.float32),
            pltpu.VMEM((_POOL,), jnp.float32),
            pltpu.VMEM((48,), jnp.float32),
            pltpu.SemaphoreType.DMA,
        ],
    )
    return f(state, rows, cols, vals, tail)


def _fin_body(state_ref, part_ref, out_ref):
    r = jnp.sum(part_ref[...], axis=0, keepdims=True)
    xv = state_ref[...] + jnp.float32(0.1) * r
    out_ref[...] = jnp.float32(0.5) * xv * (
        jnp.float32(1.0) + lax.erf(xv * np.float32(np.sqrt(0.5))))


def _finalize(state, partials):
    return pl.pallas_call(
        _fin_body,
        out_shape=jax.ShapeDtypeStruct((1, _POOL), jnp.float32),
    )(state, partials)


def kernel(x, W, b, connectivity_values, connectivity_indices):
    state = _matmul_select(x, W, b)

    rows = connectivity_indices[0]
    cols = connectivity_indices[1]
    zpad = jnp.zeros((16 - _TAIL_N,), jnp.int32)
    trow = jnp.concatenate([lax.slice(rows, [_TAIL_BASE], [_NNZ]), zpad])
    tcol = jnp.concatenate([lax.slice(cols, [_TAIL_BASE], [_NNZ]), zpad])
    tval = jnp.concatenate(
        [lax.slice(connectivity_values, [_TAIL_BASE], [_NNZ]),
         jnp.zeros((16 - _TAIL_N,), jnp.float32)])
    tail = jnp.concatenate([
        lax.bitcast_convert_type(trow, jnp.float32),
        lax.bitcast_convert_type(tcol, jnp.float32),
        tval])

    state1 = state.reshape(_POOL)
    partials = _sc_spmv(state1, rows, cols, connectivity_values, tail)
    out = _finalize(state, partials)
    return out.reshape(_POOL)

# --- scband reference (transcript-rebuilt; emitter-appended) ---
"""Pipeline reference for scband-memory-efficient-sparse-pool-91070486545125 (READ-ONLY COPY).

The authoritative reference and input builder live on the scoring server;
editing this copy changes nothing except your own understanding.
"""

import jax, jax.numpy as jnp
import numpy as np

POOL = 16384
DIM = 1024
SPARSITY = 0.001
NNZ = int(POOL * POOL * SPARSITY)  # 268435


def setup_inputs(seed: int = 0) -> dict:
    key = jax.random.key(seed)
    k1, k2, k3, k4, k5 = jax.random.split(key, 5)
    x = jax.random.normal(k1, (4, DIM), dtype=jnp.float32)
    # nn.Linear(input_dim, pool_size): weight [pool_size, input_dim], bias [pool_size]
    bound = 1.0 / np.sqrt(DIM)
    W = jax.random.uniform(k2, (POOL, DIM), dtype=jnp.float32, minval=-bound, maxval=bound)
    b = jax.random.uniform(k3, (POOL,), dtype=jnp.float32, minval=-bound, maxval=bound)
    connectivity_indices = jax.random.randint(k4, (2, NNZ), 0, POOL, dtype=jnp.int32)
    connectivity_values = jax.random.normal(k5, (NNZ,), dtype=jnp.float32) * 0.1
    return {
        "x": x,
        "W": W,
        "b": b,
        "connectivity_values": connectivity_values,
        "connectivity_indices": connectivity_indices,
    }


def reference(x, W, b, connectivity_values, connectivity_indices):
    # input_activation = self.input_projection(x)
    input_activation = x @ W.T + b  # [B, POOL]
    # threshold = quantile(|act|, 1 - sparsity) over whole tensor
    threshold = jnp.quantile(jnp.abs(input_activation), 1.0 - SPARSITY)
    active_mask = jnp.abs(input_activation) > threshold  # [B, POOL]
    # sparse_state buffer starts at zeros; mul_(0.9) keeps it zeros
    input_act = input_activation[0]
    mrow = active_mask[0]
    # sparse_state[active_mask] = input_act[active_mask]  (scatter-overwrite on zero state)
    state = jnp.where(mrow, input_act, jnp.zeros_like(input_act))  # [POOL]
    # recurrent = torch.sparse.mm(W_sparse, state[:, None]).squeeze()
    rows = connectivity_indices[0]
    cols = connectivity_indices[1]
    contrib = connectivity_values * jnp.take(state, cols)  # gather
    recurrent = jnp.zeros((POOL,), dtype=state.dtype).at[rows].add(contrib)  # scatter-add
    # sparse_state = GELU(state + 0.1 * recurrent)  (torch nn.GELU = exact erf)
    new_state = jax.nn.gelu(state + 0.1 * recurrent, approximate=False)
    # BoundedAttractorState scalars (active_count, mean_activity, sparsity) are
    # Python-side stats derived from the state; we return the updated state tensor
    # plus the stats as arrays.
    active_count = jnp.sum(mrow).astype(jnp.int32)
    mean_activity = jnp.sum(jnp.where(mrow, new_state, 0.0)) / jnp.maximum(active_count.astype(jnp.float32), 1.0)
    return new_state


if False:  # reference __main__ guard neutralized (emitter)
    out = reference(**setup_inputs())
    print(out.shape, out.dtype)

if __name__ == "__main__":
    import jax
    _d = setup_inputs()
    print(jax.jit(kernel)(*tuple(_d.values())))

</pallas_src>

<mosaic_0001>
#map = affine_map<(d0, d1) -> (0)>
#map1 = affine_map<(d0, d1) -> (0, 0)>
module attributes {stable_mosaic.version = 14 : i64} {
  func.func @_sc_body(%arg0: i32, %arg1: i32, %arg2: memref<16384xf32, #tpu.memory_space<hbm>>, %arg3: memref<268435xi32, #tpu.memory_space<hbm>>, %arg4: memref<268435xi32, #tpu.memory_space<hbm>>, %arg5: memref<268435xf32, #tpu.memory_space<hbm>>, %arg6: memref<48xf32, #tpu.memory_space<hbm>>, %arg7: memref<32x16384xf32, #tpu.memory_space<hbm>>, %arg8: memref<8544xi32, #tpu.memory_space<vmem>>, %arg9: memref<8544xi32, #tpu.memory_space<vmem>>, %arg10: memref<8544xf32, #tpu.memory_space<vmem>>, %arg11: memref<16384xf32, #tpu.memory_space<vmem>>, %arg12: memref<16384xf32, #tpu.memory_space<vmem>>, %arg13: memref<48xf32, #tpu.memory_space<vmem>>, %arg14: memref<!tpu.dma_semaphore, #tpu.memory_space<semaphore_mem>>) attributes {dimension_semantics = [#tpu.dimension_semantics<core_parallel>, #tpu.dimension_semantics<subcore_parallel>], iteration_bounds = array<i64: 2, 16>, scalar_prefetch = 0 : i64, scratch_operands = 7 : i64, tpu.core_type = #tpu.core_type<sc_vector_subcore>, window_params = [{transform_indices = #map}, {transform_indices = #map}, {transform_indices = #map}, {transform_indices = #map}, {transform_indices = #map}, {transform_indices = #map1}]} {
    %mul3A = arith.constant 2 : i32
    %mul3A_0 = arith.muli %arg1, %mul3A : i32
    %add3A = arith.addi %mul3A_0, %arg0 : i32
    %eq3A = arith.constant 31 : i32
    %eq3A_1 = arith.cmpi eq, %add3A, %eq3A : i32
    %mul3A_2 = arith.constant 8384 : i32
    %mul3A_3 = arith.muli %add3A, %mul3A_2 : i32
    tpu.enqueue_dma source(%arg2 : memref<16384xf32, #tpu.memory_space<hbm>>) target(%arg11 : memref<16384xf32, #tpu.memory_space<vmem>>) target_semaphore(%arg14 : memref<!tpu.dma_semaphore, #tpu.memory_space<semaphore_mem>>)
    %dma_start3A = arith.constant 0 : i32
    %dma_start3A_4 = tpu.memref_slice %arg8[%dma_start3A] : memref<8544xi32, #tpu.memory_space<vmem>> -> memref<8384xi32, #tpu.memory_space<vmem>>
    %dma_start3A_5 = tpu.memref_slice %arg3[%mul3A_3] : memref<268435xi32, #tpu.memory_space<hbm>> -> memref<8384xi32, #tpu.memory_space<hbm>>
    %dma_start3A_6 = arith.constant 0 : i32
    %dma_start3A_7 = tpu.memref_slice %arg8[%dma_start3A_6] : memref<8544xi32, #tpu.memory_space<vmem>> -> memref<8384xi32, #tpu.memory_space<vmem>>
    %dma_start3A_8 = tpu.memref_slice %arg3[%mul3A_3] : memref<268435xi32, #tpu.memory_space<hbm>> -> memref<8384xi32, #tpu.memory_space<hbm>>
    tpu.enqueue_dma source(%dma_start3A_8 : memref<8384xi32, #tpu.memory_space<hbm>>) target(%dma_start3A_7 : memref<8384xi32, #tpu.memory_space<vmem>>) target_semaphore(%arg14 : memref<!tpu.dma_semaphore, #tpu.memory_space<semaphore_mem>>)
    %dma_start3A_9 = arith.constant 0 : i32
    %dma_start3A_10 = tpu.memref_slice %arg9[%dma_start3A_9] : memref<8544xi32, #tpu.memory_space<vmem>> -> memref<8384xi32, #tpu.memory_space<vmem>>
    %dma_start3A_11 = tpu.memref_slice %arg4[%mul3A_3] : memref<268435xi32, #tpu.memory_space<hbm>> -> memref<8384xi32, #tpu.memory_space<hbm>>
    %dma_start3A_12 = arith.constant 0 : i32
    %dma_start3A_13 = tpu.memref_slice %arg9[%dma_start3A_12] : memref<8544xi32, #tpu.memory_space<vmem>> -> memref<8384xi32, #tpu.memory_space<vmem>>
    %dma_start3A_14 = tpu.memref_slice %arg4[%mul3A_3] : memref<268435xi32, #tpu.memory_space<hbm>> -> memref<8384xi32, #tpu.memory_space<hbm>>
    tpu.enqueue_dma source(%dma_start3A_14 : memref<8384xi32, #tpu.memory_space<hbm>>) target(%dma_start3A_13 : memref<8384xi32, #tpu.memory_space<vmem>>) target_semaphore(%arg14 : memref<!tpu.dma_semaphore, #tpu.memory_space<semaphore_mem>>)
    %dma_start3A_15 = arith.constant 0 : i32
    %dma_start3A_16 = tpu.memref_slice %arg10[%dma_start3A_15] : memref<8544xf32, #tpu.memory_space<vmem>> -> memref<8384xf32, #tpu.memory_space<vmem>>
    %dma_start3A_17 = tpu.memref_slice %arg5[%mul3A_3] : memref<268435xf32, #tpu.memory_space<hbm>> -> memref<8384xf32, #tpu.memory_space<hbm>>
    %dma_start3A_18 = arith.constant 0 : i32
    %dma_start3A_19 = tpu.memref_slice %arg10[%dma_start3A_18] : memref<8544xf32, #tpu.memory_space<vmem>> -> memref<8384xf32, #tpu.memory_space<vmem>>
    %dma_start3A_20 = tpu.memref_slice %arg5[%mul3A_3] : memref<268435xf32, #tpu.memory_space<hbm>> -> memref<8384xf32, #tpu.memory_space<hbm>>
    tpu.enqueue_dma source(%dma_start3A_20 : memref<8384xf32, #tpu.memory_space<hbm>>) target(%dma_start3A_19 : memref<8384xf32, #tpu.memory_space<vmem>>) target_semaphore(%arg14 : memref<!tpu.dma_semaphore, #tpu.memory_space<semaphore_mem>>)
    %broadcast_in_dim3A = arith.constant 0 : i32
    %broadcast_in_dim3A_21 = vector.broadcast %broadcast_in_dim3A : i32 to vector<16xi32>
    %broadcast_in_dim3A_22 = arith.constant 0.000000e+00 : f32
    %broadcast_in_dim3A_23 = vector.broadcast %broadcast_in_dim3A_22 : f32 to vector<16xf32>
    %swap3A = arith.constant 8384 : index
    %swap3A_24 = tpu.vector_load %arg8[%swap3A] {strides = array<i32>} : memref<8544xi32, #tpu.memory_space<vmem>>, vector<16xi32>,
    tpu.vector_store %arg8[%swap3A], %broadcast_in_dim3A_21 {strides = array<i32>} : memref<8544xi32, #tpu.memory_space<vmem>>, vector<16xi32>,
    %swap3A_25 = arith.constant 8384 : index
    %swap3A_26 = tpu.vector_load %arg9[%swap3A_25] {strides = array<i32>} : memref<8544xi32, #tpu.memory_space<vmem>>, vector<16xi32>,
    tpu.vector_store %arg9[%swap3A_25], %broadcast_in_dim3A_21 {strides = array<i32>} : memref<8544xi32, #tpu.memory_space<vmem>>, vector<16xi32>,
    %swap3A_27 = arith.constant 8384 : index
    %swap3A_28 = tpu.vector_load %arg10[%swap3A_27] {strides = array<i32>} : memref<8544xf32, #tpu.memory_space<vmem>>, vector<16xf32>,
    tpu.vector_store %arg10[%swap3A_27], %broadcast_in_dim3A_23 {strides = array<i32>} : memref<8544xf32, #tpu.memory_space<vmem>>, vector<16xf32>,
    %swap3A_29 = arith.constant 8400 : index
    %swap3A_30 = tpu.vector_load %arg8[%swap3A_29] {strides = array<i32>} : memref<8544xi32, #tpu.memory_space<vmem>>, vector<16xi32>,
    tpu.vector_store %arg8[%swap3A_29], %broadcast_in_dim3A_21 {strides = array<i32>} : memref<8544xi32, #tpu.memory_space<vmem>>, vector<16xi32>,
    %swap3A_31 = arith.constant 8400 : index
    %swap3A_32 = tpu.vector_load %arg9[%swap3A_31] {strides = array<i32>} : memref<8544xi32, #tpu.memory_space<vmem>>, vector<16xi32>,
    tpu.vector_store %arg9[%swap3A_31], %broadcast_in_dim3A_21 {strides = array<i32>} : memref<8544xi32, #tpu.memory_space<vmem>>, vector<16xi32>,
    %swap3A_33 = arith.constant 8400 : index
    %swap3A_34 = tpu.vector_load %arg10[%swap3A_33] {strides = array<i32>} : memref<8544xf32, #tpu.memory_space<vmem>>, vector<16xf32>,
    tpu.vector_store %arg10[%swap3A_33], %broadcast_in_dim3A_23 {strides = array<i32>} : memref<8544xf32, #tpu.memory_space<vmem>>, vector<16xf32>,
    %swap3A_35 = arith.constant 8416 : index
    %swap3A_36 = tpu.vector_load %arg8[%swap3A_35] {strides = array<i32>} : memref<8544xi32, #tpu.memory_space<vmem>>, vector<16xi32>,
    tpu.vector_store %arg8[%swap3A_35], %broadcast_in_dim3A_21 {strides = array<i32>} : memref<8544xi32, #tpu.memory_space<vmem>>, vector<16xi32>,
    %swap3A_37 = arith.constant 8416 : index
    %swap3A_38 = tpu.vector_load %arg9[%swap3A_37] {strides = array<i32>} : memref<8544xi32, #tpu.memory_space<vmem>>, vector<16xi32>,
    tpu.vector_store %arg9[%swap3A_37], %broadcast_in_dim3A_21 {strides = array<i32>} : memref<8544xi32, #tpu.memory_space<vmem>>, vector<16xi32>,
    %swap3A_39 = arith.constant 8416 : index
    %swap3A_40 = tpu.vector_load %arg10[%swap3A_39] {strides = array<i32>} : memref<8544xf32, #tpu.memory_space<vmem>>, vector<16xf32>,
    tpu.vector_store %arg10[%swap3A_39], %broadcast_in_dim3A_23 {strides = array<i32>} : memref<8544xf32, #tpu.memory_space<vmem>>, vector<16xf32>,
    %swap3A_41 = arith.constant 8432 : index
    %swap3A_42 = tpu.vector_load %arg8[%swap3A_41] {strides = array<i32>} : memref<8544xi32, #tpu.memory_space<vmem>>, vector<16xi32>,
    tpu.vector_store %arg8[%swap3A_41], %broadcast_in_dim3A_21 {strides = array<i32>} : memref<8544xi32, #tpu.memory_space<vmem>>, vector<16xi32>,
    %swap3A_43 = arith.constant 8432 : index
    %swap3A_44 = tpu.vector_load %arg9[%swap3A_43] {strides = array<i32>} : memref<8544xi32, #tpu.memory_space<vmem>>, vector<16xi32>,
    tpu.vector_store %arg9[%swap3A_43], %broadcast_in_dim3A_21 {strides = array<i32>} : memref<8544xi32, #tpu.memory_space<vmem>>, vector<16xi32>,
    %swap3A_45 = arith.constant 8432 : index
    %swap3A_46 = tpu.vector_load %arg10[%swap3A_45] {strides = array<i32>} : memref<8544xf32, #tpu.memory_space<vmem>>, vector<16xf32>,
    tpu.vector_store %arg10[%swap3A_45], %broadcast_in_dim3A_23 {strides = array<i32>} : memref<8544xf32, #tpu.memory_space<vmem>>, vector<16xf32>,
    %swap3A_47 = arith.constant 8448 : index
    %swap3A_48 = tpu.vector_load %arg8[%swap3A_47] {strides = array<i32>} : memref<8544xi32, #tpu.memory_space<vmem>>, vector<16xi32>,
    tpu.vector_store %arg8[%swap3A_47], %broadcast_in_dim3A_21 {strides = array<i32>} : memref<8544xi32, #tpu.memory_space<vmem>>, vector<16xi32>,
    %swap3A_49 = arith.constant 8448 : index
    %swap3A_50 = tpu.vector_load %arg9[%swap3A_49] {strides = array<i32>} : memref<8544xi32, #tpu.memory_space<vmem>>, vector<16xi32>,
    tpu.vector_store %arg9[%swap3A_49], %broadcast_in_dim3A_21 {strides = array<i32>} : memref<8544xi32, #tpu.memory_space<vmem>>, vector<16xi32>,
    %swap3A_51 = arith.constant 8448 : index
    %swap3A_52 = tpu.vector_load %arg10[%swap3A_51] {strides = array<i32>} : memref<8544xf32, #tpu.memory_space<vmem>>, vector<16xf32>,
    tpu.vector_store %arg10[%swap3A_51], %broadcast_in_dim3A_23 {strides = array<i32>} : memref<8544xf32, #tpu.memory_space<vmem>>, vector<16xf32>,
    %swap3A_53 = arith.constant 8464 : index
    %swap3A_54 = tpu.vector_load %arg8[%swap3A_53] {strides = array<i32>} : memref<8544xi32, #tpu.memory_space<vmem>>, vector<16xi32>,
    tpu.vector_store %arg8[%swap3A_53], %broadcast_in_dim3A_21 {strides = array<i32>} : memref<8544xi32, #tpu.memory_space<vmem>>, vector<16xi32>,
    %swap3A_55 = arith.constant 8464 : index
    %swap3A_56 = tpu.vector_load %arg9[%swap3A_55] {strides = array<i32>} : memref<8544xi32, #tpu.memory_space<vmem>>, vector<16xi32>,
    tpu.vector_store %arg9[%swap3A_55], %broadcast_in_dim3A_21 {strides = array<i32>} : memref<8544xi32, #tpu.memory_space<vmem>>, vector<16xi32>,
    %swap3A_57 = arith.constant 8464 : index
    %swap3A_58 = tpu.vector_load %arg10[%swap3A_57] {strides = array<i32>} : memref<8544xf32, #tpu.memory_space<vmem>>, vector<16xf32>,
    tpu.vector_store %arg10[%swap3A_57], %broadcast_in_dim3A_23 {strides = array<i32>} : memref<8544xf32, #tpu.memory_space<vmem>>, vector<16xf32>,
    %swap3A_59 = arith.constant 8480 : index
    %swap3A_60 = tpu.vector_load %arg8[%swap3A_59] {strides = array<i32>} : memref<8544xi32, #tpu.memory_space<vmem>>, vector<16xi32>,
    tpu.vector_store %arg8[%swap3A_59], %broadcast_in_dim3A_21 {strides = array<i32>} : memref<8544xi32, #tpu.memory_space<vmem>>, vector<16xi32>,
    %swap3A_61 = arith.constant 8480 : index
    %swap3A_62 = tpu.vector_load %arg9[%swap3A_61] {strides = array<i32>} : memref<8544xi32, #tpu.memory_space<vmem>>, vector<16xi32>,
    tpu.vector_store %arg9[%swap3A_61], %broadcast_in_dim3A_21 {strides = array<i32>} : memref<8544xi32, #tpu.memory_space<vmem>>, vector<16xi32>,
    %swap3A_63 = arith.constant 8480 : index
    %swap3A_64 = tpu.vector_load %arg10[%swap3A_63] {strides = array<i32>} : memref<8544xf32, #tpu.memory_space<vmem>>, vector<16xf32>,
    tpu.vector_store %arg10[%swap3A_63], %broadcast_in_dim3A_23 {strides = array<i32>} : memref<8544xf32, #tpu.memory_space<vmem>>, vector<16xf32>,
    %swap3A_65 = arith.constant 8496 : index
    %swap3A_66 = tpu.vector_load %arg8[%swap3A_65] {strides = array<i32>} : memref<8544xi32, #tpu.memory_space<vmem>>, vector<16xi32>,
    tpu.vector_store %arg8[%swap3A_65], %broadcast_in_dim3A_21 {strides = array<i32>} : memref<8544xi32, #tpu.memory_space<vmem>>, vector<16xi32>,
    %swap3A_67 = arith.constant 8496 : index
    %swap3A_68 = tpu.vector_load %arg9[%swap3A_67] {strides = array<i32>} : memref<8544xi32, #tpu.memory_space<vmem>>, vector<16xi32>,
    tpu.vector_store %arg9[%swap3A_67], %broadcast_in_dim3A_21 {strides = array<i32>} : memref<8544xi32, #tpu.memory_space<vmem>>, vector<16xi32>,
    %swap3A_69 = arith.constant 8496 : index
    %swap3A_70 = tpu.vector_load %arg10[%swap3A_69] {strides = array<i32>} : memref<8544xf32, #tpu.memory_space<vmem>>, vector<16xf32>,
    tpu.vector_store %arg10[%swap3A_69], %broadcast_in_dim3A_23 {strides = array<i32>} : memref<8544xf32, #tpu.memory_space<vmem>>, vector<16xf32>,
    %swap3A_71 = arith.constant 8512 : index
    %swap3A_72 = tpu.vector_load %arg8[%swap3A_71] {strides = array<i32>} : memref<8544xi32, #tpu.memory_space<vmem>>, vector<16xi32>,
    tpu.vector_store %arg8[%swap3A_71], %broadcast_in_dim3A_21 {strides = array<i32>} : memref<8544xi32, #tpu.memory_space<vmem>>, vector<16xi32>,
    %swap3A_73 = arith.constant 8512 : index
    %swap3A_74 = tpu.vector_load %arg9[%swap3A_73] {strides = array<i32>} : memref<8544xi32, #tpu.memory_space<vmem>>, vector<16xi32>,
    tpu.vector_store %arg9[%swap3A_73], %broadcast_in_dim3A_21 {strides = array<i32>} : memref<8544xi32, #tpu.memory_space<vmem>>, vector<16xi32>,
    %swap3A_75 = arith.constant 8512 : index
    %swap3A_76 = tpu.vector_load %arg10[%swap3A_75] {strides = array<i32>} : memref<8544xf32, #tpu.memory_space<vmem>>, vector<16xf32>,
    tpu.vector_store %arg10[%swap3A_75], %broadcast_in_dim3A_23 {strides = array<i32>} : memref<8544xf32, #tpu.memory_space<vmem>>, vector<16xf32>,
    %swap3A_77 = arith.constant 8528 : index
    %swap3A_78 = tpu.vector_load %arg8[%swap3A_77] {strides = array<i32>} : memref<8544xi32, #tpu.memory_space<vmem>>, vector<16xi32>,
    tpu.vector_store %arg8[%swap3A_77], %broadcast_in_dim3A_21 {strides = array<i32>} : memref<8544xi32, #tpu.memory_space<vmem>>, vector<16xi32>,
    %swap3A_79 = arith.constant 8528 : index
    %swap3A_80 = tpu.vector_load %arg9[%swap3A_79] {strides = array<i32>} : memref<8544xi32, #tpu.memory_space<vmem>>, vector<16xi32>,
    tpu.vector_store %arg9[%swap3A_79], %broadcast_in_dim3A_21 {strides = array<i32>} : memref<8544xi32, #tpu.memory_space<vmem>>, vector<16xi32>,
    %swap3A_81 = arith.constant 8528 : index
    %swap3A_82 = tpu.vector_load %arg10[%swap3A_81] {strides = array<i32>} : memref<8544xf32, #tpu.memory_space<vmem>>, vector<16xf32>,
    tpu.vector_store %arg10[%swap3A_81], %broadcast_in_dim3A_23 {strides = array<i32>} : memref<8544xf32, #tpu.memory_space<vmem>>, vector<16xf32>,
    %convert_element_type3A = arith.extui %eq3A_1 : i1 to i32
    %cond3A = arith.constant 0 : i32
    %cond3A_83 = arith.cmpi ne, %convert_element_type3A, %cond3A : i32
    scf.if %cond3A_83 {
      "tpu.region"() ({
        %run_scoped3A = tpu.sem_alloc : memref<!tpu.dma_semaphore, #tpu.memory_space<semaphore_mem>>
        %dma_start3A_219 = arith.constant 8384 : i32
        %dma_start3A_220 = tpu.memref_slice %arg8[%dma_start3A_219] : memref<8544xi32, #tpu.memory_space<vmem>> -> memref<144xi32, #tpu.memory_space<vmem>>
        %dma_start3A_221 = arith.constant 268288 : i32
        %dma_start3A_222 = tpu.memref_slice %arg3[%dma_start3A_221] : memref<268435xi32, #tpu.memory_space<hbm>> -> memref<144xi32, #tpu.memory_space<hbm>>
        %dma_start3A_223 = arith.constant 8384 : i32
        %dma_start3A_224 = tpu.memref_slice %arg8[%dma_start3A_223] : memref<8544xi32, #tpu.memory_space<vmem>> -> memref<144xi32, #tpu.memory_space<vmem>>
        %dma_start3A_225 = arith.constant 268288 : i32
        %dma_start3A_226 = tpu.memref_slice %arg3[%dma_start3A_225] : memref<268435xi32, #tpu.memory_space<hbm>> -> memref<144xi32, #tpu.memory_space<hbm>>
        tpu.enqueue_dma source(%dma_start3A_226 : memref<144xi32, #tpu.memory_space<hbm>>) target(%dma_start3A_224 : memref<144xi32, #tpu.memory_space<vmem>>) target_semaphore(%run_scoped3A : memref<!tpu.dma_semaphore, #tpu.memory_space<semaphore_mem>>)
        %dma_wait3A_227 = arith.constant 8384 : i32
        %dma_wait3A_228 = tpu.memref_slice %arg8[%dma_wait3A_227] : memref<8544xi32, #tpu.memory_space<vmem>> -> memref<144xi32, #tpu.memory_space<vmem>>
        %dma_wait3A_229 = arith.constant 268288 : i32
        %dma_wait3A_230 = tpu.memref_slice %arg3[%dma_wait3A_229] : memref<268435xi32, #tpu.memory_space<hbm>> -> memref<144xi32, #tpu.memory_space<hbm>>
        %dma_wait3A_231 = arith.constant 8384 : i32
        %dma_wait3A_232 = tpu.memref_slice %arg8[%dma_wait3A_231] : memref<8544xi32, #tpu.memory_space<vmem>> -> memref<144xi32, #tpu.memory_space<vmem>>
        %dma_wait3A_233 = arith.constant 268288 : i32
        %dma_wait3A_234 = tpu.memref_slice %arg3[%dma_wait3A_233] : memref<268435xi32, #tpu.memory_space<hbm>> -> memref<144xi32, #tpu.memory_space<hbm>>
        tpu.wait_dma2 semaphore(%run_scoped3A : memref<!tpu.dma_semaphore, #tpu.memory_space<semaphore_mem>>) src(%dma_wait3A_234 : memref<144xi32, #tpu.memory_space<hbm>>) dst(%dma_wait3A_232 : memref<144xi32, #tpu.memory_space<vmem>>)
        tpu.yield
      }) : () -> ()
      "tpu.region"() ({
        %run_scoped3A = tpu.sem_alloc : memref<!tpu.dma_semaphore, #tpu.memory_space<semaphore_mem>>
        %dma_start3A_219 = arith.constant 8384 : i32
        %dma_start3A_220 = tpu.memref_slice %arg9[%dma_start3A_219] : memref<8544xi32, #tpu.memory_space<vmem>> -> memref<144xi32, #tpu.memory_space<vmem>>
        %dma_start3A_221 = arith.constant 268288 : i32
        %dma_start3A_222 = tpu.memref_slice %arg4[%dma_start3A_221] : memref<268435xi32, #tpu.memory_space<hbm>> -> memref<144xi32, #tpu.memory_space<hbm>>
        %dma_start3A_223 = arith.constant 8384 : i32
        %dma_start3A_224 = tpu.memref_slice %arg9[%dma_start3A_223] : memref<8544xi32, #tpu.memory_space<vmem>> -> memref<144xi32, #tpu.memory_space<vmem>>
        %dma_start3A_225 = arith.constant 268288 : i32
        %dma_start3A_226 = tpu.memref_slice %arg4[%dma_start3A_225] : memref<268435xi32, #tpu.memory_space<hbm>> -> memref<144xi32, #tpu.memory_space<hbm>>
        tpu.enqueue_dma source(%dma_start3A_226 : memref<144xi32, #tpu.memory_space<hbm>>) target(%dma_start3A_224 : memref<144xi32, #tpu.memory_space<vmem>>) target_semaphore(%run_scoped3A : memref<!tpu.dma_semaphore, #tpu.memory_space<semaphore_mem>>)
        %dma_wait3A_227 = arith.constant 8384 : i32
        %dma_wait3A_228 = tpu.memref_slice %arg9[%dma_wait3A_227] : memref<8544xi32, #tpu.memory_space<vmem>> -> memref<144xi32, #tpu.memory_space<vmem>>
        %dma_wait3A_229 = arith.constant 268288 : i32
        %dma_wait3A_230 = tpu.memref_slice %arg4[%dma_wait3A_229] : memref<268435xi32, #tpu.memory_space<hbm>> -> memref<144xi32, #tpu.memory_space<hbm>>
        %dma_wait3A_231 = arith.constant 8384 : i32
        %dma_wait3A_232 = tpu.memref_slice %arg9[%dma_wait3A_231] : memref<8544xi32, #tpu.memory_space<vmem>> -> memref<144xi32, #tpu.memory_space<vmem>>
        %dma_wait3A_233 = arith.constant 268288 : i32
        %dma_wait3A_234 = tpu.memref_slice %arg4[%dma_wait3A_233] : memref<268435xi32, #tpu.memory_space<hbm>> -> memref<144xi32, #tpu.memory_space<hbm>>
        tpu.wait_dma2 semaphore(%run_scoped3A : memref<!tpu.dma_semaphore, #tpu.memory_space<semaphore_mem>>) src(%dma_wait3A_234 : memref<144xi32, #tpu.memory_space<hbm>>) dst(%dma_wait3A_232 : memref<144xi32, #tpu.memory_space<vmem>>)
        tpu.yield
      }) : () -> ()
      "tpu.region"() ({
        %run_scoped3A = tpu.sem_alloc : memref<!tpu.dma_semaphore, #tpu.memory_space<semaphore_mem>>
        %dma_start3A_219 = arith.constant 8384 : i32
        %dma_start3A_220 = tpu.memref_slice %arg10[%dma_start3A_219] : memref<8544xf32, #tpu.memory_space<vmem>> -> memref<144xf32, #tpu.memory_space<vmem>>
        %dma_start3A_221 = arith.constant 268288 : i32
        %dma_start3A_222 = tpu.memref_slice %arg5[%dma_start3A_221] : memref<268435xf32, #tpu.memory_space<hbm>> -> memref<144xf32, #tpu.memory_space<hbm>>
        %dma_start3A_223 = arith.constant 8384 : i32
        %dma_start3A_224 = tpu.memref_slice %arg10[%dma_start3A_223] : memref<8544xf32, #tpu.memory_space<vmem>> -> memref<144xf32, #tpu.memory_space<vmem>>
        %dma_start3A_225 = arith.constant 268288 : i32
        %dma_start3A_226 = tpu.memref_slice %arg5[%dma_start3A_225] : memref<268435xf32, #tpu.memory_space<hbm>> -> memref<144xf32, #tpu.memory_space<hbm>>
        tpu.enqueue_dma source(%dma_start3A_226 : memref<144xf32, #tpu.memory_space<hbm>>) target(%dma_start3A_224 : memref<144xf32, #tpu.memory_space<vmem>>) target_semaphore(%run_scoped3A : memref<!tpu.dma_semaphore, #tpu.memory_space<semaphore_mem>>)
        %dma_wait3A_227 = arith.constant 8384 : i32
        %dma_wait3A_228 = tpu.memref_slice %arg10[%dma_wait3A_227] : memref<8544xf32, #tpu.memory_space<vmem>> -> memref<144xf32, #tpu.memory_space<vmem>>
        %dma_wait3A_229 = arith.constant 268288 : i32
        %dma_wait3A_230 = tpu.memref_slice %arg5[%dma_wait3A_229] : memref<268435xf32, #tpu.memory_space<hbm>> -> memref<144xf32, #tpu.memory_space<hbm>>
        %dma_wait3A_231 = arith.constant 8384 : i32
        %dma_wait3A_232 = tpu.memref_slice %arg10[%dma_wait3A_231] : memref<8544xf32, #tpu.memory_space<vmem>> -> memref<144xf32, #tpu.memory_space<vmem>>
        %dma_wait3A_233 = arith.constant 268288 : i32
        %dma_wait3A_234 = tpu.memref_slice %arg5[%dma_wait3A_233] : memref<268435xf32, #tpu.memory_space<hbm>> -> memref<144xf32, #tpu.memory_space<hbm>>
        tpu.wait_dma2 semaphore(%run_scoped3A : memref<!tpu.dma_semaphore, #tpu.memory_space<semaphore_mem>>) src(%dma_wait3A_234 : memref<144xf32, #tpu.memory_space<hbm>>) dst(%dma_wait3A_232 : memref<144xf32, #tpu.memory_space<vmem>>)
        tpu.yield
      }) : () -> ()
      "tpu.region"() ({
        %run_scoped3A = tpu.sem_alloc : memref<!tpu.dma_semaphore, #tpu.memory_space<semaphore_mem>>
        tpu.enqueue_dma source(%arg6 : memref<48xf32, #tpu.memory_space<hbm>>) target(%arg13 : memref<48xf32, #tpu.memory_space<vmem>>) target_semaphore(%run_scoped3A : memref<!tpu.dma_semaphore, #tpu.memory_space<semaphore_mem>>)
        tpu.wait_dma2 semaphore(%run_scoped3A : memref<!tpu.dma_semaphore, #tpu.memory_space<semaphore_mem>>) src(%arg6 : memref<48xf32, #tpu.memory_space<hbm>>) dst(%arg13 : memref<48xf32, #tpu.memory_space<vmem>>)
        tpu.yield
      }) : () -> ()
      %get3A_206 = arith.constant 0 : index
      %get3A_207 = tpu.vector_load %arg13[%get3A_206] {strides = array<i32>} : memref<48xf32, #tpu.memory_space<vmem>>, vector<16xf32>,
      %bitcast3A = vector.bitcast %get3A_207 : vector<16xf32> to vector<16xi32>
      %swap3A_208 = arith.constant 8528 : index
      %swap3A_209 = tpu.vector_load %arg8[%swap3A_208] {strides = array<i32>} : memref<8544xi32, #tpu.memory_space<vmem>>, vector<16xi32>,
      tpu.vector_store %arg8[%swap3A_208], %bitcast3A {strides = array<i32>} : memref<8544xi32, #tpu.memory_space<vmem>>, vector<16xi32>,
      %get3A_210 = arith.constant 16 : index
      %get3A_211 = tpu.vector_load %arg13[%get3A_210] {strides = array<i32>} : memref<48xf32, #tpu.memory_space<vmem>>, vector<16xf32>,
      %bitcast3A_212 = vector.bitcast %get3A_211 : vector<16xf32> to vector<16xi32>
      %swap3A_213 = arith.constant 8528 : index
      %swap3A_214 = tpu.vector_load %arg9[%swap3A_213] {strides = array<i32>} : memref<8544xi32, #tpu.memory_space<vmem>>, vector<16xi32>,
      tpu.vector_store %arg9[%swap3A_213], %bitcast3A_212 {strides = array<i32>} : memref<8544xi32, #tpu.memory_space<vmem>>, vector<16xi32>,
      %get3A_215 = arith.constant 32 : index
      %get3A_216 = tpu.vector_load %arg13[%get3A_215] {strides = array<i32>} : memref<48xf32, #tpu.memory_space<vmem>>, vector<16xf32>,
      %swap3A_217 = arith.constant 8528 : index
      %swap3A_218 = tpu.vector_load %arg10[%swap3A_217] {strides = array<i32>} : memref<8544xf32, #tpu.memory_space<vmem>>, vector<16xf32>,
      tpu.vector_store %arg10[%swap3A_217], %get3A_216 {strides = array<i32>} : memref<8544xf32, #tpu.memory_space<vmem>>, vector<16xf32>,
    } else {
    }
    %scan3A = arith.constant 0 : i32
    %scan3A_84 = arith.constant 0 : i32
    %scan3A_85 = arith.constant 1024 : i32
    %scan3A_86 = arith.addi %scan3A_84, %scan3A_85 : i32
    %scan3A_87 = arith.constant 8 : i32
    scf.for %scan3A_206 = %scan3A_84 to %scan3A_86 step %scan3A_87  : i32 {
      %broadcast_in_dim3A_207 = arith.constant 0.000000e+00 : f32
      %broadcast_in_dim3A_208 = vector.broadcast %broadcast_in_dim3A_207 : f32 to vector<16xf32>
      %mul3A_209 = arith.constant 16 : i32
      %mul3A_210 = arith.muli %scan3A_206, %mul3A_209 : i32
      %swap3A_211 = arith.index_cast %mul3A_210 : i32 to index
      %swap3A_212 = tpu.vector_load %arg12[%swap3A_211] {strides = array<i32>} : memref<16384xf32, #tpu.memory_space<vmem>>, vector<16xf32>,
      tpu.vector_store %arg12[%swap3A_211], %broadcast_in_dim3A_208 {strides = array<i32>} : memref<16384xf32, #tpu.memory_space<vmem>>, vector<16xf32>,
      %scan3A_213 = arith.constant 1 : i32
      %scan3A_214 = arith.addi %scan3A_206, %scan3A_213 : i32
      %broadcast_in_dim3A_215 = arith.constant 0.000000e+00 : f32
      %broadcast_in_dim3A_216 = vector.broadcast %broadcast_in_dim3A_215 : f32 to vector<16xf32>
      %mul3A_217 = arith.constant 16 : i32
      %mul3A_218 = arith.muli %scan3A_214, %mul3A_217 : i32
      %swap3A_219 = arith.index_cast %mul3A_218 : i32 to index
      %swap3A_220 = tpu.vector_load %arg12[%swap3A_219] {strides = array<i32>} : memref<16384xf32, #tpu.memory_space<vmem>>, vector<16xf32>,
      tpu.vector_store %arg12[%swap3A_219], %broadcast_in_dim3A_216 {strides = array<i32>} : memref<16384xf32, #tpu.memory_space<vmem>>, vector<16xf32>,
      %scan3A_221 = arith.constant 2 : i32
      %scan3A_222 = arith.addi %scan3A_206, %scan3A_221 : i32
      %broadcast_in_dim3A_223 = arith.constant 0.000000e+00 : f32
      %broadcast_in_dim3A_224 = vector.broadcast %broadcast_in_dim3A_223 : f32 to vector<16xf32>
      %mul3A_225 = arith.constant 16 : i32
      %mul3A_226 = arith.muli %scan3A_222, %mul3A_225 : i32
      %swap3A_227 = arith.index_cast %mul3A_226 : i32 to index
      %swap3A_228 = tpu.vector_load %arg12[%swap3A_227] {strides = array<i32>} : memref<16384xf32, #tpu.memory_space<vmem>>, vector<16xf32>,
      tpu.vector_store %arg12[%swap3A_227], %broadcast_in_dim3A_224 {strides = array<i32>} : memref<16384xf32, #tpu.memory_space<vmem>>, vector<16xf32>,
      %scan3A_229 = arith.constant 3 : i32
      %scan3A_230 = arith.addi %scan3A_206, %scan3A_229 : i32
      %broadcast_in_dim3A_231 = arith.constant 0.000000e+00 : f32
      %broadcast_in_dim3A_232 = vector.broadcast %broadcast_in_dim3A_231 : f32 to vector<16xf32>
      %mul3A_233 = arith.constant 16 : i32
      %mul3A_234 = arith.muli %scan3A_230, %mul3A_233 : i32
      %swap3A_235 = arith.index_cast %mul3A_234 : i32 to index
      %swap3A_236 = tpu.vector_load %arg12[%swap3A_235] {strides = array<i32>} : memref<16384xf32, #tpu.memory_space<vmem>>, vector<16xf32>,
      tpu.vector_store %arg12[%swap3A_235], %broadcast_in_dim3A_232 {strides = array<i32>} : memref<16384xf32, #tpu.memory_space<vmem>>, vector<16xf32>,
      %scan3A_237 = arith.constant 4 : i32
      %scan3A_238 = arith.addi %scan3A_206, %scan3A_237 : i32
      %broadcast_in_dim3A_239 = arith.constant 0.000000e+00 : f32
      %broadcast_in_dim3A_240 = vector.broadcast %broadcast_in_dim3A_239 : f32 to vector<16xf32>
      %mul3A_241 = arith.constant 16 : i32
      %mul3A_242 = arith.muli %scan3A_238, %mul3A_241 : i32
      %swap3A_243 = arith.index_cast %mul3A_242 : i32 to index
      %swap3A_244 = tpu.vector_load %arg12[%swap3A_243] {strides = array<i32>} : memref<16384xf32, #tpu.memory_space<vmem>>, vector<16xf32>,
      tpu.vector_store %arg12[%swap3A_243], %broadcast_in_dim3A_240 {strides = array<i32>} : memref<16384xf32, #tpu.memory_space<vmem>>, vector<16xf32>,
      %scan3A_245 = arith.constant 5 : i32
      %scan3A_246 = arith.addi %scan3A_206, %scan3A_245 : i32
      %broadcast_in_dim3A_247 = arith.constant 0.000000e+00 : f32
      %broadcast_in_dim3A_248 = vector.broadcast %broadcast_in_dim3A_247 : f32 to vector<16xf32>
      %mul3A_249 = arith.constant 16 : i32
      %mul3A_250 = arith.muli %scan3A_246, %mul3A_249 : i32
      %swap3A_251 = arith.index_cast %mul3A_250 : i32 to index
      %swap3A_252 = tpu.vector_load %arg12[%swap3A_251] {strides = array<i32>} : memref<16384xf32, #tpu.memory_space<vmem>>, vector<16xf32>,
      tpu.vector_store %arg12[%swap3A_251], %broadcast_in_dim3A_248 {strides = array<i32>} : memref<16384xf32, #tpu.memory_space<vmem>>, vector<16xf32>,
      %scan3A_253 = arith.constant 6 : i32
      %scan3A_254 = arith.addi %scan3A_206, %scan3A_253 : i32
      %broadcast_in_dim3A_255 = arith.constant 0.000000e+00 : f32
      %broadcast_in_dim3A_256 = vector.broadcast %broadcast_in_dim3A_255 : f32 to vector<16xf32>
      %mul3A_257 = arith.constant 16 : i32
      %mul3A_258 = arith.muli %scan3A_254, %mul3A_257 : i32
      %swap3A_259 = arith.index_cast %mul3A_258 : i32 to index
      %swap3A_260 = tpu.vector_load %arg12[%swap3A_259] {strides = array<i32>} : memref<16384xf32, #tpu.memory_space<vmem>>, vector<16xf32>,
      tpu.vector_store %arg12[%swap3A_259], %broadcast_in_dim3A_256 {strides = array<i32>} : memref<16384xf32, #tpu.memory_space<vmem>>, vector<16xf32>,
      %scan3A_261 = arith.constant 7 : i32
      %scan3A_262 = arith.addi %scan3A_206, %scan3A_261 : i32
      %broadcast_in_dim3A_263 = arith.constant 0.000000e+00 : f32
      %broadcast_in_dim3A_264 = vector.broadcast %broadcast_in_dim3A_263 : f32 to vector<16xf32>
      %mul3A_265 = arith.constant 16 : i32
      %mul3A_266 = arith.muli %scan3A_262, %mul3A_265 : i32
      %swap3A_267 = arith.index_cast %mul3A_266 : i32 to index
      %swap3A_268 = tpu.vector_load %arg12[%swap3A_267] {strides = array<i32>} : memref<16384xf32, #tpu.memory_space<vmem>>, vector<16xf32>,
      tpu.vector_store %arg12[%swap3A_267], %broadcast_in_dim3A_264 {strides = array<i32>} : memref<16384xf32, #tpu.memory_space<vmem>>, vector<16xf32>,
    }
    %scan3A_88 = arith.constant 1024 : i32
    tpu.wait_dma2 semaphore(%arg14 : memref<!tpu.dma_semaphore, #tpu.memory_space<semaphore_mem>>) src(%arg2 : memref<16384xf32, #tpu.memory_space<hbm>>) dst(%arg11 : memref<16384xf32, #tpu.memory_space<vmem>>)
    %dma_wait3A = arith.constant 0 : i32
    %dma_wait3A_89 = tpu.memref_slice %arg8[%dma_wait3A] : memref<8544xi32, #tpu.memory_space<vmem>> -> memref<8384xi32, #tpu.memory_space<vmem>>
    %dma_wait3A_90 = tpu.memref_slice %arg3[%mul3A_3] : memref<268435xi32, #tpu.memory_space<hbm>> -> memref<8384xi32, #tpu.memory_space<hbm>>
    %dma_wait3A_91 = arith.constant 0 : i32
    %dma_wait3A_92 = tpu.memref_slice %arg8[%dma_wait3A_91] : memref<8544xi32, #tpu.memory_space<vmem>> -> memref<8384xi32, #tpu.memory_space<vmem>>
    %dma_wait3A_93 = tpu.memref_slice %arg3[%mul3A_3] : memref<268435xi32, #tpu.memory_space<hbm>> -> memref<8384xi32, #tpu.memory_space<hbm>>
    tpu.wait_dma2 semaphore(%arg14 : memref<!tpu.dma_semaphore, #tpu.memory_space<semaphore_mem>>) src(%dma_wait3A_93 : memref<8384xi32, #tpu.memory_space<hbm>>) dst(%dma_wait3A_92 : memref<8384xi32, #tpu.memory_space<vmem>>)
    %dma_wait3A_94 = arith.constant 0 : i32
    %dma_wait3A_95 = tpu.memref_slice %arg9[%dma_wait3A_94] : memref<8544xi32, #tpu.memory_space<vmem>> -> memref<8384xi32, #tpu.memory_space<vmem>>
    %dma_wait3A_96 = tpu.memref_slice %arg4[%mul3A_3] : memref<268435xi32, #tpu.memory_space<hbm>> -> memref<8384xi32, #tpu.memory_space<hbm>>
    %dma_wait3A_97 = arith.constant 0 : i32
    %dma_wait3A_98 = tpu.memref_slice %arg9[%dma_wait3A_97] : memref<8544xi32, #tpu.memory_space<vmem>> -> memref<8384xi32, #tpu.memory_space<vmem>>
    %dma_wait3A_99 = tpu.memref_slice %arg4[%mul3A_3] : memref<268435xi32, #tpu.memory_space<hbm>> -> memref<8384xi32, #tpu.memory_space<hbm>>
    tpu.wait_dma2 semaphore(%arg14 : memref<!tpu.dma_semaphore, #tpu.memory_space<semaphore_mem>>) src(%dma_wait3A_99 : memref<8384xi32, #tpu.memory_space<hbm>>) dst(%dma_wait3A_98 : memref<8384xi32, #tpu.memory_space<vmem>>)
    %dma_wait3A_100 = arith.constant 0 : i32
    %dma_wait3A_101 = tpu.memref_slice %arg10[%dma_wait3A_100] : memref<8544xf32, #tpu.memory_space<vmem>> -> memref<8384xf32, #tpu.memory_space<vmem>>
    %dma_wait3A_102 = tpu.memref_slice %arg5[%mul3A_3] : memref<268435xf32, #tpu.memory_space<hbm>> -> memref<8384xf32, #tpu.memory_space<hbm>>
    %dma_wait3A_103 = arith.constant 0 : i32
    %dma_wait3A_104 = tpu.memref_slice %arg10[%dma_wait3A_103] : memref<8544xf32, #tpu.memory_space<vmem>> -> memref<8384xf32, #tpu.memory_space<vmem>>
    %dma_wait3A_105 = tpu.memref_slice %arg5[%mul3A_3] : memref<268435xf32, #tpu.memory_space<hbm>> -> memref<8384xf32, #tpu.memory_space<hbm>>
    tpu.wait_dma2 semaphore(%arg14 : memref<!tpu.dma_semaphore, #tpu.memory_space<semaphore_mem>>) src(%dma_wait3A_105 : memref<8384xf32, #tpu.memory_space<hbm>>) dst(%dma_wait3A_104 : memref<8384xf32, #tpu.memory_space<vmem>>)
    %scan3A_106 = arith.constant 0 : i32
    %scan3A_107 = arith.constant 0 : i32
    %scan3A_108 = arith.constant 528 : i32
    %scan3A_109 = arith.addi %scan3A_107, %scan3A_108 : i32
    %scan3A_110 = arith.constant 8 : i32
    scf.for %scan3A_206 = %scan3A_107 to %scan3A_109 step %scan3A_110  : i32 {
      %mul3A_207 = arith.constant 16 : i32
      %mul3A_208 = arith.muli %scan3A_206, %mul3A_207 : i32
      %get3A_209 = arith.index_cast %mul3A_208 : i32 to index
      %get3A_210 = tpu.vector_load %arg9[%get3A_209] {strides = array<i32>} : memref<8544xi32, #tpu.memory_space<vmem>>, vector<16xi32>,
      %gather3A_211 = tpu.vector_load_idx %arg11[%get3A_210] : memref<16384xf32, #tpu.memory_space<vmem>>[vector<16xi32>], vector<16xf32>,
      %mul3A_212 = arith.constant 16 : i32
      %mul3A_213 = arith.muli %scan3A_206, %mul3A_212 : i32
      %get3A_214 = arith.index_cast %mul3A_213 : i32 to index
      %get3A_215 = tpu.vector_load %arg10[%get3A_214] {strides = array<i32>} : memref<8544xf32, #tpu.memory_space<vmem>>, vector<16xf32>,
      %mul3A_216 = arith.mulf %get3A_215, %gather3A_211 : vector<16xf32>
      %mul3A_217 = arith.constant 16 : i32
      %mul3A_218 = arith.muli %scan3A_206, %mul3A_217 : i32
      %get3A_219 = arith.index_cast %mul3A_218 : i32 to index
      %get3A_220 = tpu.vector_load %arg8[%get3A_219] {strides = array<i32>} : memref<8544xi32, #tpu.memory_space<vmem>>, vector<16xi32>,
      tpu.vector_store_idx %arg12[%get3A_220], %mul3A_216 {add = true} : memref<16384xf32, #tpu.memory_space<vmem>>[vector<16xi32>], vector<16xf32>,
      %scan3A_221 = arith.constant 1 : i32
      %scan3A_222 = arith.addi %scan3A_206, %scan3A_221 : i32
      %mul3A_223 = arith.constant 16 : i32
      %mul3A_224 = arith.muli %scan3A_222, %mul3A_223 : i32
      %get3A_225 = arith.index_cast %mul3A_224 : i32 to index
      %get3A_226 = tpu.vector_load %arg9[%get3A_225] {strides = array<i32>} : memref<8544xi32, #tpu.memory_space<vmem>>, vector<16xi32>,
      %gather3A_227 = tpu.vector_load_idx %arg11[%get3A_226] : memref<16384xf32, #tpu.memory_space<vmem>>[vector<16xi32>], vector<16xf32>,
      %mul3A_228 = arith.constant 16 : i32
      %mul3A_229 = arith.muli %scan3A_222, %mul3A_228 : i32
      %get3A_230 = arith.index_cast %mul3A_229 : i32 to index
      %get3A_231 = tpu.vector_load %arg10[%get3A_230] {strides = array<i32>} : memref<8544xf32, #tpu.memory_space<vmem>>, vector<16xf32>,
      %mul3A_232 = arith.mulf %get3A_231, %gather3A_227 : vector<16xf32>
      %mul3A_233 = arith.constant 16 : i32
      %mul3A_234 = arith.muli %scan3A_222, %mul3A_233 : i32
      %get3A_235 = arith.index_cast %mul3A_234 : i32 to index
      %get3A_236 = tpu.vector_load %arg8[%get3A_235] {strides = array<i32>} : memref<8544xi32, #tpu.memory_space<vmem>>, vector<16xi32>,
      tpu.vector_store_idx %arg12[%get3A_236], %mul3A_232 {add = true} : memref<16384xf32, #tpu.memory_space<vmem>>[vector<16xi32>], vector<16xf32>,
      %scan3A_237 = arith.constant 2 : i32
      %scan3A_238 = arith.addi %scan3A_206, %scan3A_237 : i32
      %mul3A_239 = arith.constant 16 : i32
      %mul3A_240 = arith.muli %scan3A_238, %mul3A_239 : i32
      %get3A_241 = arith.index_cast %mul3A_240 : i32 to index
      %get3A_242 = tpu.vector_load %arg9[%get3A_241] {strides = array<i32>} : memref<8544xi32, #tpu.memory_space<vmem>>, vector<16xi32>,
      %gather3A_243 = tpu.vector_load_idx %arg11[%get3A_242] : memref<16384xf32, #tpu.memory_space<vmem>>[vector<16xi32>], vector<16xf32>,
      %mul3A_244 = arith.constant 16 : i32
      %mul3A_245 = arith.muli %scan3A_238, %mul3A_244 : i32
      %get3A_246 = arith.index_cast %mul3A_245 : i32 to index
      %get3A_247 = tpu.vector_load %arg10[%get3A_246] {strides = array<i32>} : memref<8544xf32, #tpu.memory_space<vmem>>, vector<16xf32>,
      %mul3A_248 = arith.mulf %get3A_247, %gather3A_243 : vector<16xf32>
      %mul3A_249 = arith.constant 16 : i32
      %mul3A_250 = arith.muli %scan3A_238, %mul3A_249 : i32
      %get3A_251 = arith.index_cast %mul3A_250 : i32 to index
      %get3A_252 = tpu.vector_load %arg8[%get3A_251] {strides = array<i32>} : memref<8544xi32, #tpu.memory_space<vmem>>, vector<16xi32>,
      tpu.vector_store_idx %arg12[%get3A_252], %mul3A_248 {add = true} : memref<16384xf32, #tpu.memory_space<vmem>>[vector<16xi32>], vector<16xf32>,
      %scan3A_253 = arith.constant 3 : i32
      %scan3A_254 = arith.addi %scan3A_206, %scan3A_253 : i32
      %mul3A_255 = arith.constant 16 : i32
      %mul3A_256 = arith.muli %scan3A_254, %mul3A_255 : i32
      %get3A_257 = arith.index_cast %mul3A_256 : i32 to index
      %get3A_258 = tpu.vector_load %arg9[%get3A_257] {strides = array<i32>} : memref<8544xi32, #tpu.memory_space<vmem>>, vector<16xi32>,
      %gather3A_259 = tpu.vector_load_idx %arg11[%get3A_258] : memref<16384xf32, #tpu.memory_space<vmem>>[vector<16xi32>], vector<16xf32>,
      %mul3A_260 = arith.constant 16 : i32
      %mul3A_261 = arith.muli %scan3A_254, %mul3A_260 : i32
      %get3A_262 = arith.index_cast %mul3A_261 : i32 to index
      %get3A_263 = tpu.vector_load %arg10[%get3A_262] {strides = array<i32>} : memref<8544xf32, #tpu.memory_space<vmem>>, vector<16xf32>,
      %mul3A_264 = arith.mulf %get3A_263, %gather3A_259 : vector<16xf32>
      %mul3A_265 = arith.constant 16 : i32
      %mul3A_266 = arith.muli %scan3A_254, %mul3A_265 : i32
      %get3A_267 = arith.index_cast %mul3A_266 : i32 to index
      %get3A_268 = tpu.vector_load %arg8[%get3A_267] {strides = array<i32>} : memref<8544xi32, #tpu.memory_space<vmem>>, vector<16xi32>,
      tpu.vector_store_idx %arg12[%get3A_268], %mul3A_264 {add = true} : memref<16384xf32, #tpu.memory_space<vmem>>[vector<16xi32>], vector<16xf32>,
      %scan3A_269 = arith.constant 4 : i32
      %scan3A_270 = arith.addi %scan3A_206, %scan3A_269 : i32
      %mul3A_271 = arith.constant 16 : i32
      %mul3A_272 = arith.muli %scan3A_270, %mul3A_271 : i32
      %get3A_273 = arith.index_cast %mul3A_272 : i32 to index
      %get3A_274 = tpu.vector_load %arg9[%get3A_273] {strides = array<i32>} : memref<8544xi32, #tpu.memory_space<vmem>>, vector<16xi32>,
      %gather3A_275 = tpu.vector_load_idx %arg11[%get3A_274] : memref<16384xf32, #tpu.memory_space<vmem>>[vector<16xi32>], vector<16xf32>,
      %mul3A_276 = arith.constant 16 : i32
      %mul3A_277 = arith.muli %scan3A_270, %mul3A_276 : i32
      %get3A_278 = arith.index_cast %mul3A_277 : i32 to index
      %get3A_279 = tpu.vector_load %arg10[%get3A_278] {strides = array<i32>} : memref<8544xf32, #tpu.memory_space<vmem>>, vector<16xf32>,
      %mul3A_280 = arith.mulf %get3A_279, %gather3A_275 : vector<16xf32>
      %mul3A_281 = arith.constant 16 : i32
      %mul3A_282 = arith.muli %scan3A_270, %mul3A_281 : i32
      %get3A_283 = arith.index_cast %mul3A_282 : i32 to index
      %get3A_284 = tpu.vector_load %arg8[%get3A_283] {strides = array<i32>} : memref<8544xi32, #tpu.memory_space<vmem>>, vector<16xi32>,
      tpu.vector_store_idx %arg12[%get3A_284], %mul3A_280 {add = true} : memref<16384xf32, #tpu.memory_space<vmem>>[vector<16xi32>], vector<16xf32>,
      %scan3A_285 = arith.constant 5 : i32
      %scan3A_286 = arith.addi %scan3A_206, %scan3A_285 : i32
      %mul3A_287 = arith.constant 16 : i32
      %mul3A_288 = arith.muli %scan3A_286, %mul3A_287 : i32
      %get3A_289 = arith.index_cast %mul3A_288 : i32 to index
      %get3A_290 = tpu.vector_load %arg9[%get3A_289] {strides = array<i32>} : memref<8544xi32, #tpu.memory_space<vmem>>, vector<16xi32>,
      %gather3A_291 = tpu.vector_load_idx %arg11[%get3A_290] : memref<16384xf32, #tpu.memory_space<vmem>>[vector<16xi32>], vector<16xf32>,
      %mul3A_292 = arith.constant 16 : i32
      %mul3A_293 = arith.muli %scan3A_286, %mul3A_292 : i32
      %get3A_294 = arith.index_cast %mul3A_293 : i32 to index
      %get3A_295 = tpu.vector_load %arg10[%get3A_294] {strides = array<i32>} : memref<8544xf32, #tpu.memory_space<vmem>>, vector<16xf32>,
      %mul3A_296 = arith.mulf %get3A_295, %gather3A_291 : vector<16xf32>
      %mul3A_297 = arith.constant 16 : i32
      %mul3A_298 = arith.muli %scan3A_286, %mul3A_297 : i32
      %get3A_299 = arith.index_cast %mul3A_298 : i32 to index
      %get3A_300 = tpu.vector_load %arg8[%get3A_299] {strides = array<i32>} : memref<8544xi32, #tpu.memory_space<vmem>>, vector<16xi32>,
      tpu.vector_store_idx %arg12[%get3A_300], %mul3A_296 {add = true} : memref<16384xf32, #tpu.memory_space<vmem>>[vector<16xi32>], vector<16xf32>,
      %scan3A_301 = arith.constant 6 : i32
      %scan3A_302 = arith.addi %scan3A_206, %scan3A_301 : i32
      %mul3A_303 = arith.constant 16 : i32
      %mul3A_304 = arith.muli %scan3A_302, %mul3A_303 : i32
      %get3A_305 = arith.index_cast %mul3A_304 : i32 to index
      %get3A_306 = tpu.vector_load %arg9[%get3A_305] {strides = array<i32>} : memref<8544xi32, #tpu.memory_space<vmem>>, vector<16xi32>,
      %gather3A_307 = tpu.vector_load_idx %arg11[%get3A_306] : memref<16384xf32, #tpu.memory_space<vmem>>[vector<16xi32>], vector<16xf32>,
      %mul3A_308 = arith.constant 16 : i32
      %mul3A_309 = arith.muli %scan3A_302, %mul3A_308 : i32
      %get3A_310 = arith.index_cast %mul3A_309 : i32 to index
      %get3A_311 = tpu.vector_load %arg10[%get3A_310] {strides = array<i32>} : memref<8544xf32, #tpu.memory_space<vmem>>, vector<16xf32>,
      %mul3A_312 = arith.mulf %get3A_311, %gather3A_307 : vector<16xf32>
      %mul3A_313 = arith.constant 16 : i32
      %mul3A_314 = arith.muli %scan3A_302, %mul3A_313 : i32
      %get3A_315 = arith.index_cast %mul3A_314 : i32 to index
      %get3A_316 = tpu.vector_load %arg8[%get3A_315] {strides = array<i32>} : memref<8544xi32, #tpu.memory_space<vmem>>, vector<16xi32>,
      tpu.vector_store_idx %arg12[%get3A_316], %mul3A_312 {add = true} : memref<16384xf32, #tpu.memory_space<vmem>>[vector<16xi32>], vector<16xf32>,
      %scan3A_317 = arith.constant 7 : i32
      %scan3A_318 = arith.addi %scan3A_206, %scan3A_317 : i32
      %mul3A_319 = arith.constant 16 : i32
      %mul3A_320 = arith.muli %scan3A_318, %mul3A_319 : i32
      %get3A_321 = arith.index_cast %mul3A_320 : i32 to index
      %get3A_322 = tpu.vector_load %arg9[%get3A_321] {strides = array<i32>} : memref<8544xi32, #tpu.memory_space<vmem>>, vector<16xi32>,
      %gather3A_323 = tpu.vector_load_idx %arg11[%get3A_322] : memref<16384xf32, #tpu.memory_space<vmem>>[vector<16xi32>], vector<16xf32>,
      %mul3A_324 = arith.constant 16 : i32
      %mul3A_325 = arith.muli %scan3A_318, %mul3A_324 : i32
      %get3A_326 = arith.index_cast %mul3A_325 : i32 to index
      %get3A_327 = tpu.vector_load %arg10[%get3A_326] {strides = array<i32>} : memref<8544xf32, #tpu.memory_space<vmem>>, vector<16xf32>,
      %mul3A_328 = arith.mulf %get3A_327, %gather3A_323 : vector<16xf32>
      %mul3A_329 = arith.constant 16 : i32
      %mul3A_330 = arith.muli %scan3A_318, %mul3A_329 : i32
      %get3A_331 = arith.index_cast %mul3A_330 : i32 to index
      %get3A_332 = tpu.vector_load %arg8[%get3A_331] {strides = array<i32>} : memref<8544xi32, #tpu.memory_space<vmem>>, vector<16xi32>,
      tpu.vector_store_idx %arg12[%get3A_332], %mul3A_328 {add = true} : memref<16384xf32, #tpu.memory_space<vmem>>[vector<16xi32>], vector<16xf32>,
    }
    %scan3A_111 = arith.constant 528 : i32
    %scan3A_112 = arith.addi %scan3A_107, %scan3A_111 : i32
    %mul3A_113 = arith.constant 16 : i32
    %mul3A_114 = arith.muli %scan3A_112, %mul3A_113 : i32
    %get3A = arith.index_cast %mul3A_114 : i32 to index
    %get3A_115 = tpu.vector_load %arg9[%get3A] {strides = array<i32>} : memref<8544xi32, #tpu.memory_space<vmem>>, vector<16xi32>,
    %gather3A = tpu.vector_load_idx %arg11[%get3A_115] : memref<16384xf32, #tpu.memory_space<vmem>>[vector<16xi32>], vector<16xf32>,
    %mul3A_116 = arith.constant 16 : i32
    %mul3A_117 = arith.muli %scan3A_112, %mul3A_116 : i32
    %get3A_118 = arith.index_cast %mul3A_117 : i32 to index
    %get3A_119 = tpu.vector_load %arg10[%get3A_118] {strides = array<i32>} : memref<8544xf32, #tpu.memory_space<vmem>>, vector<16xf32>,
    %mul3A_120 = arith.mulf %get3A_119, %gather3A : vector<16xf32>
    %mul3A_121 = arith.constant 16 : i32
    %mul3A_122 = arith.muli %scan3A_112, %mul3A_121 : i32
    %get3A_123 = arith.index_cast %mul3A_122 : i32 to index
    %get3A_124 = tpu.vector_load %arg8[%get3A_123] {strides = array<i32>} : memref<8544xi32, #tpu.memory_space<vmem>>, vector<16xi32>,
    tpu.vector_store_idx %arg12[%get3A_124], %mul3A_120 {add = true} : memref<16384xf32, #tpu.memory_space<vmem>>[vector<16xi32>], vector<16xf32>,
    %scan3A_125 = arith.constant 529 : i32
    %scan3A_126 = arith.addi %scan3A_107, %scan3A_125 : i32
    %mul3A_127 = arith.constant 16 : i32
    %mul3A_128 = arith.muli %scan3A_126, %mul3A_127 : i32
    %get3A_129 = arith.index_cast %mul3A_128 : i32 to index
    %get3A_130 = tpu.vector_load %arg9[%get3A_129] {strides = array<i32>} : memref<8544xi32, #tpu.memory_space<vmem>>, vector<16xi32>,
    %gather3A_131 = tpu.vector_load_idx %arg11[%get3A_130] : memref<16384xf32, #tpu.memory_space<vmem>>[vector<16xi32>], vector<16xf32>,
    %mul3A_132 = arith.constant 16 : i32
    %mul3A_133 = arith.muli %scan3A_126, %mul3A_132 : i32
    %get3A_134 = arith.index_cast %mul3A_133 : i32 to index
    %get3A_135 = tpu.vector_load %arg10[%get3A_134] {strides = array<i32>} : memref<8544xf32, #tpu.memory_space<vmem>>, vector<16xf32>,
    %mul3A_136 = arith.mulf %get3A_135, %gather3A_131 : vector<16xf32>
    %mul3A_137 = arith.constant 16 : i32
    %mul3A_138 = arith.muli %scan3A_126, %mul3A_137 : i32
    %get3A_139 = arith.index_cast %mul3A_138 : i32 to index
    %get3A_140 = tpu.vector_load %arg8[%get3A_139] {strides = array<i32>} : memref<8544xi32, #tpu.memory_space<vmem>>, vector<16xi32>,
    tpu.vector_store_idx %arg12[%get3A_140], %mul3A_136 {add = true} : memref<16384xf32, #tpu.memory_space<vmem>>[vector<16xi32>], vector<16xf32>,
    %scan3A_141 = arith.constant 530 : i32
    %scan3A_142 = arith.addi %scan3A_107, %scan3A_141 : i32
    %mul3A_143 = arith.constant 16 : i32
    %mul3A_144 = arith.muli %scan3A_142, %mul3A_143 : i32
    %get3A_145 = arith.index_cast %mul3A_144 : i32 to index
    %get3A_146 = tpu.vector_load %arg9[%get3A_145] {strides = array<i32>} : memref<8544xi32, #tpu.memory_space<vmem>>, vector<16xi32>,
    %gather3A_147 = tpu.vector_load_idx %arg11[%get3A_146] : memref<16384xf32, #tpu.memory_space<vmem>>[vector<16xi32>], vector<16xf32>,
    %mul3A_148 = arith.constant 16 : i32
    %mul3A_149 = arith.muli %scan3A_142, %mul3A_148 : i32
    %get3A_150 = arith.index_cast %mul3A_149 : i32 to index
    %get3A_151 = tpu.vector_load %arg10[%get3A_150] {strides = array<i32>} : memref<8544xf32, #tpu.memory_space<vmem>>, vector<16xf32>,
    %mul3A_152 = arith.mulf %get3A_151, %gather3A_147 : vector<16xf32>
    %mul3A_153 = arith.constant 16 : i32
    %mul3A_154 = arith.muli %scan3A_142, %mul3A_153 : i32
    %get3A_155 = arith.index_cast %mul3A_154 : i32 to index
    %get3A_156 = tpu.vector_load %arg8[%get3A_155] {strides = array<i32>} : memref<8544xi32, #tpu.memory_space<vmem>>, vector<16xi32>,
    tpu.vector_store_idx %arg12[%get3A_156], %mul3A_152 {add = true} : memref<16384xf32, #tpu.memory_space<vmem>>[vector<16xi32>], vector<16xf32>,
    %scan3A_157 = arith.constant 531 : i32
    %scan3A_158 = arith.addi %scan3A_107, %scan3A_157 : i32
    %mul3A_159 = arith.constant 16 : i32
    %mul3A_160 = arith.muli %scan3A_158, %mul3A_159 : i32
    %get3A_161 = arith.index_cast %mul3A_160 : i32 to index
    %get3A_162 = tpu.vector_load %arg9[%get3A_161] {strides = array<i32>} : memref<8544xi32, #tpu.memory_space<vmem>>, vector<16xi32>,
    %gather3A_163 = tpu.vector_load_idx %arg11[%get3A_162] : memref<16384xf32, #tpu.memory_space<vmem>>[vector<16xi32>], vector<16xf32>,
    %mul3A_164 = arith.constant 16 : i32
    %mul3A_165 = arith.muli %scan3A_158, %mul3A_164 : i32
    %get3A_166 = arith.index_cast %mul3A_165 : i32 to index
    %get3A_167 = tpu.vector_load %arg10[%get3A_166] {strides = array<i32>} : memref<8544xf32, #tpu.memory_space<vmem>>, vector<16xf32>,
    %mul3A_168 = arith.mulf %get3A_167, %gather3A_163 : vector<16xf32>
    %mul3A_169 = arith.constant 16 : i32
    %mul3A_170 = arith.muli %scan3A_158, %mul3A_169 : i32
    %get3A_171 = arith.index_cast %mul3A_170 : i32 to index
    %get3A_172 = tpu.vector_load %arg8[%get3A_171] {strides = array<i32>} : memref<8544xi32, #tpu.memory_space<vmem>>, vector<16xi32>,
    tpu.vector_store_idx %arg12[%get3A_172], %mul3A_168 {add = true} : memref<16384xf32, #tpu.memory_space<vmem>>[vector<16xi32>], vector<16xf32>,
    %scan3A_173 = arith.constant 532 : i32
    %scan3A_174 = arith.addi %scan3A_107, %scan3A_173 : i32
    %mul3A_175 = arith.constant 16 : i32
    %mul3A_176 = arith.muli %scan3A_174, %mul3A_175 : i32
    %get3A_177 = arith.index_cast %mul3A_176 : i32 to index
    %get3A_178 = tpu.vector_load %arg9[%get3A_177] {strides = array<i32>} : memref<8544xi32, #tpu.memory_space<vmem>>, vector<16xi32>,
    %gather3A_179 = tpu.vector_load_idx %arg11[%get3A_178] : memref<16384xf32, #tpu.memory_space<vmem>>[vector<16xi32>], vector<16xf32>,
    %mul3A_180 = arith.constant 16 : i32
    %mul3A_181 = arith.muli %scan3A_174, %mul3A_180 : i32
    %get3A_182 = arith.index_cast %mul3A_181 : i32 to index
    %get3A_183 = tpu.vector_load %arg10[%get3A_182] {strides = array<i32>} : memref<8544xf32, #tpu.memory_space<vmem>>, vector<16xf32>,
    %mul3A_184 = arith.mulf %get3A_183, %gather3A_179 : vector<16xf32>
    %mul3A_185 = arith.constant 16 : i32
    %mul3A_186 = arith.muli %scan3A_174, %mul3A_185 : i32
    %get3A_187 = arith.index_cast %mul3A_186 : i32 to index
    %get3A_188 = tpu.vector_load %arg8[%get3A_187] {strides = array<i32>} : memref<8544xi32, #tpu.memory_space<vmem>>, vector<16xi32>,
    tpu.vector_store_idx %arg12[%get3A_188], %mul3A_184 {add = true} : memref<16384xf32, #tpu.memory_space<vmem>>[vector<16xi32>], vector<16xf32>,
    %scan3A_189 = arith.constant 533 : i32
    %scan3A_190 = arith.addi %scan3A_107, %scan3A_189 : i32
    %mul3A_191 = arith.constant 16 : i32
    %mul3A_192 = arith.muli %scan3A_190, %mul3A_191 : i32
    %get3A_193 = arith.index_cast %mul3A_192 : i32 to index
    %get3A_194 = tpu.vector_load %arg9[%get3A_193] {strides = array<i32>} : memref<8544xi32, #tpu.memory_space<vmem>>, vector<16xi32>,
    %gather3A_195 = tpu.vector_load_idx %arg11[%get3A_194] : memref<16384xf32, #tpu.memory_space<vmem>>[vector<16xi32>], vector<16xf32>,
    %mul3A_196 = arith.constant 16 : i32
    %mul3A_197 = arith.muli %scan3A_190, %mul3A_196 : i32
    %get3A_198 = arith.index_cast %mul3A_197 : i32 to index
    %get3A_199 = tpu.vector_load %arg10[%get3A_198] {strides = array<i32>} : memref<8544xf32, #tpu.memory_space<vmem>>, vector<16xf32>,
    %mul3A_200 = arith.mulf %get3A_199, %gather3A_195 : vector<16xf32>
    %mul3A_201 = arith.constant 16 : i32
    %mul3A_202 = arith.muli %scan3A_190, %mul3A_201 : i32
    %get3A_203 = arith.index_cast %mul3A_202 : i32 to index
    %get3A_204 = tpu.vector_load %arg8[%get3A_203] {strides = array<i32>} : memref<8544xi32, #tpu.memory_space<vmem>>, vector<16xi32>,
    tpu.vector_store_idx %arg12[%get3A_204], %mul3A_200 {add = true} : memref<16384xf32, #tpu.memory_space<vmem>>[vector<16xi32>], vector<16xf32>,
    %scan3A_205 = arith.constant 534 : i32
    "tpu.region"() ({
      %run_scoped3A = tpu.sem_alloc : memref<!tpu.dma_semaphore, #tpu.memory_space<semaphore_mem>>
      %dma_start3A_206 = arith.constant 0 : i32
      %dma_start3A_207 = tpu.memref_slice %arg7[%add3A, %dma_start3A_206] : memref<32x16384xf32, #tpu.memory_space<hbm>> -> memref<1x16384xf32, #tpu.memory_space<hbm>>
      %dma_start3A_208 = tpu.memref_squeeze %dma_start3A_207 : memref<1x16384xf32, #tpu.memory_space<hbm>> -> memref<16384xf32, #tpu.memory_space<hbm>>
      %dma_start3A_209 = arith.constant 0 : i32
      %dma_start3A_210 = tpu.memref_slice %arg7[%add3A, %dma_start3A_209] : memref<32x16384xf32, #tpu.memory_space<hbm>> -> memref<1x16384xf32, #tpu.memory_space<hbm>>
      %dma_start3A_211 = tpu.memref_squeeze %dma_start3A_210 : memref<1x16384xf32, #tpu.memory_space<hbm>> -> memref<16384xf32, #tpu.memory_space<hbm>>
      tpu.enqueue_dma source(%arg12 : memref<16384xf32, #tpu.memory_space<vmem>>) target(%dma_start3A_211 : memref<16384xf32, #tpu.memory_space<hbm>>) target_semaphore(%run_scoped3A : memref<!tpu.dma_semaphore, #tpu.memory_space<semaphore_mem>>)
      %dma_wait3A_212 = arith.constant 0 : i32
      %dma_wait3A_213 = tpu.memref_slice %arg7[%add3A, %dma_wait3A_212] : memref<32x16384xf32, #tpu.memory_space<hbm>> -> memref<1x16384xf32, #tpu.memory_space<hbm>>
      %dma_wait3A_214 = tpu.memref_squeeze %dma_wait3A_213 : memref<1x16384xf32, #tpu.memory_space<hbm>> -> memref<16384xf32, #tpu.memory_space<hbm>>
      %dma_wait3A_215 = arith.constant 0 : i32
      %dma_wait3A_216 = tpu.memref_slice %arg7[%add3A, %dma_wait3A_215] : memref<32x16384xf32, #tpu.memory_space<hbm>> -> memref<1x16384xf32, #tpu.memory_space<hbm>>
      %dma_wait3A_217 = tpu.memref_squeeze %dma_wait3A_216 : memref<1x16384xf32, #tpu.memory_space<hbm>> -> memref<16384xf32, #tpu.memory_space<hbm>>
      tpu.wait_dma2 semaphore(%run_scoped3A : memref<!tpu.dma_semaphore, #tpu.memory_space<semaphore_mem>>) src(%arg12 : memref<16384xf32, #tpu.memory_space<vmem>>) dst(%dma_wait3A_217 : memref<16384xf32, #tpu.memory_space<hbm>>)
      tpu.yield
    }) : () -> ()
    return
  }
}

module attributes {stable_mosaic.version = 14 : i64} {
  func.func @_mm_sel_body(%arg0: i32, %arg1: memref<4x1024xf32, #tpu.memory_space<vmem>>, %arg2: memref<2048x1024xf32, #tpu.memory_space<vmem>>, %arg3: memref<2048xf32, #tpu.memory_space<vmem>>, %arg4: memref<1x16384xf32, #tpu.memory_space<vmem>>, %arg5: memref<8x8192xi32, #tpu.memory_space<vmem>>, %arg6: memref<1x16384xf32, #tpu.memory_space<vmem>>) attributes {dimension_semantics = [#tpu.dimension_semantics<arbitrary>], iteration_bounds = array<i64: 8>, scalar_prefetch = 0 : i64, scratch_operands = 2 : i64, tpu.core_type = #tpu.core_type<tc>, window_params = [{pipeline_mode = #tpu.pipeline_mode<synchronous>, transform_indices = @transform_0, window_bounds = array<i64: 4, 1024>}, {transform_indices = @transform_1, window_bounds = array<i64: 2048, 1024>}, {transform_indices = @transform_2, window_bounds = array<i64: 2048>}, {pipeline_mode = #tpu.pipeline_mode<synchronous>, transform_indices = @transform_3, window_bounds = array<i64: 1, 16384>}]} {
    %get3A = arith.constant 0 : index
    %get3A_0 = arith.constant 0 : index
    %get3A_1 = vector.load %arg1[%get3A, %get3A_0] : memref<4x1024xf32, #tpu.memory_space<vmem>>, vector<4x1024xf32>
    %get3A_2 = arith.constant 0 : index
    %get3A_3 = arith.constant 0 : index
    %get3A_4 = vector.load %arg2[%get3A_2, %get3A_3] : memref<2048x1024xf32, #tpu.memory_space<vmem>>, vector<2048x1024xf32>
    %dot_general3A = arith.constant dense<0.000000e+00> : vector<4x2048xf32>
    %dot_general3A_5 = tpu.matmul %get3A_1, %get3A_4, %dot_general3A {dimension_numbers = #tpu.dot_dimension_numbers<[1], [1], [0], [0], [0, 0, 1, 0], [], []>, transpose_lhs_hint = false} : vector<4x1024xf32>, vector<2048x1024xf32>, vector<4x2048xf32> -> vector<4x2048xf32>
    %get3A_6 = arith.constant 0 : index
    %get3A_7 = vector.load %arg3[%get3A_6] : memref<2048xf32, #tpu.memory_space<vmem>>, vector<2048xf32>
    %broadcast_in_dim3A = vector.shape_cast %get3A_7 : vector<2048xf32> to vector<1x2048xf32>
    %add3A = vector.broadcast %broadcast_in_dim3A : vector<1x2048xf32> to vector<4x2048xf32>
    %add3A_8 = arith.addf %dot_general3A_5, %add3A : vector<4x2048xf32>
    %slice3A = vector.extract_strided_slice %add3A_8 {offsets = [0, 0], sizes = [1, 2048], strides = [1, 1]} : vector<4x2048xf32> to vector<1x2048xf32>
    %mul3A = arith.constant 2048 : i32
    %mul3A_9 = arith.muli %arg0, %mul3A : i32
    %swap3A = arith.constant 0 : index
    %swap3A_10 = arith.index_cast %mul3A_9 : i32 to index
    %swap3A_11 = vector.load %arg6[%swap3A, %swap3A_10] : memref<1x16384xf32, #tpu.memory_space<vmem>>, vector<1x2048xf32>
    tpu.vector_store %arg6[%swap3A, %swap3A_10], %slice3A {strides = array<i32>} : memref<1x16384xf32, #tpu.memory_space<vmem>>, vector<1x2048xf32>,
    %slice3A_12 = vector.extract_strided_slice %add3A_8 {offsets = [0, 0], sizes = [4, 1024], strides = [1, 1]} : vector<4x2048xf32> to vector<4x1024xf32>
    %slice3A_13 = vector.extract_strided_slice %add3A_8 {offsets = [0, 1024], sizes = [4, 1024], strides = [1, 1]} : vector<4x2048xf32> to vector<4x1024xf32>
    %concatenate3A = tpu.concatenate %slice3A_12, %slice3A_13 in 0 : vector<4x1024xf32>, vector<4x1024xf32> -> vector<8x1024xf32>
    %abs3A = math.absf %concatenate3A : vector<8x1024xf32>
    %bitcast_convert_type3A = tpu.bitcast %abs3A : vector<8x1024xf32> -> vector<8x1024xi32>
    %mul3A_14 = arith.constant 1024 : i32
    %mul3A_15 = arith.muli %arg0, %mul3A_14 : i32
    %swap3A_16 = arith.constant 0 : index
    %swap3A_17 = arith.index_cast %mul3A_15 : i32 to index
    %swap3A_18 = vector.load %arg5[%swap3A_16, %swap3A_17] : memref<8x8192xi32, #tpu.memory_space<vmem>>, vector<8x1024xi32>
    tpu.vector_store %arg5[%swap3A_16, %swap3A_17], %bitcast_convert_type3A {strides = array<i32>} : memref<8x8192xi32, #tpu.memory_space<vmem>>, vector<8x1024xi32>,
    %eq3A = arith.constant 7 : i32
    %eq3A_19 = arith.cmpi eq, %arg0, %eq3A : i32
    %convert_element_type3A = arith.extui %eq3A_19 : i1 to i32
    %cond3A = arith.constant 0 : i32
    %cond3A_20 = arith.cmpi ne, %convert_element_type3A, %cond3A : i32
    scf.if %cond3A_20 {
      %get3A_21 = arith.constant 0 : index
      %get3A_22 = arith.constant 0 : index
      %get3A_23 = vector.load %arg5[%get3A_21, %get3A_22] : memref<8x8192xi32, #tpu.memory_space<vmem>>, vector<8x8192xi32>
      %scan3A = arith.constant 0 : i32
      %scan3A_24 = arith.constant 0 : i32
      %scan3A_25 = arith.constant 31 : i32
      %scan3A_26 = arith.addi %scan3A_24, %scan3A_25 : i32
      %scan3A_27 = arith.constant 1 : i32
      %scan3A_28 = scf.for %scan3A_75 = %scan3A_24 to %scan3A_26 step %scan3A_27 iter_args(%scan3A_76 = %scan3A) -> (i32)  : i32 {
        %sub3A = arith.constant 30 : i32
        %sub3A_77 = arith.subi %sub3A, %scan3A_75 : i32
        %shift_left3A = arith.constant 1 : i32
        %shift_left3A_78 = arith.shli %shift_left3A, %sub3A_77 : i32
        %add3A_79 = arith.addi %scan3A_76, %shift_left3A_78 : i32
        %ge3A_80 = vector.broadcast %add3A_79 : i32 to vector<8x8192xi32>
        %ge3A_81 = arith.cmpi sge, %get3A_23, %ge3A_80 : vector<8x8192xi32>
        %convert_element_type3A_82 = arith.extui %ge3A_81 : vector<8x8192xi1> to vector<8x8192xi32>
        %reduce_sum3A_83 = vector.shape_cast %convert_element_type3A_82 : vector<8x8192xi32> to vector<1x8x8192xi32>
        %reduce_sum3A_84 = arith.constant dense<0> : vector<1xi32>
        %reduce_sum3A_85 = vector.multi_reduction <add>, %reduce_sum3A_83, %reduce_sum3A_84 [1, 2] : vector<1x8x8192xi32> to vector<1xi32>
        %reduce_sum3A_86 = vector.shape_cast %reduce_sum3A_85 : vector<1xi32> to vector<1x1x1xi32>
        %reduce_sum3A_87 = vector.extract %reduce_sum3A_86[0, 0, 0] : i32 from vector<1x1x1xi32>
        %ge3A_88 = arith.constant 66 : i32
        %ge3A_89 = arith.cmpi sge, %reduce_sum3A_87, %ge3A_88 : i32
        %select_n3A_90 = arith.select %ge3A_89, %add3A_79, %scan3A_76 : i32
        scf.yield %select_n3A_90 : i32
      }
      %scan3A_29 = arith.constant 31 : i32
      %get3A_30 = arith.constant 0 : index
      %get3A_31 = arith.constant 0 : index
      %get3A_32 = vector.load %arg5[%get3A_30, %get3A_31] : memref<8x8192xi32, #tpu.memory_space<vmem>>, vector<8x8192xi32>
      %ge3A = vector.broadcast %scan3A_28 : i32 to vector<8x8192xi32>
      %ge3A_33 = arith.cmpi sge, %get3A_32, %ge3A : vector<8x8192xi32>
      %convert_element_type3A_34 = arith.extui %ge3A_33 : vector<8x8192xi1> to vector<8x8192xi32>
      %reduce_sum3A = vector.shape_cast %convert_element_type3A_34 : vector<8x8192xi32> to vector<1x8x8192xi32>
      %reduce_sum3A_35 = arith.constant dense<0> : vector<1xi32>
      %reduce_sum3A_36 = vector.multi_reduction <add>, %reduce_sum3A, %reduce_sum3A_35 [1, 2] : vector<1x8x8192xi32> to vector<1xi32>
      %reduce_sum3A_37 = vector.shape_cast %reduce_sum3A_36 : vector<1xi32> to vector<1x1x1xi32>
      %reduce_sum3A_38 = vector.extract %reduce_sum3A_37[0, 0, 0] : i32 from vector<1x1x1xi32>
      %lt3A = vector.broadcast %scan3A_28 : i32 to vector<8x8192xi32>
      %lt3A_39 = arith.cmpi slt, %get3A_32, %lt3A : vector<8x8192xi32>
      %jit3A = arith.constant 0 : i32
      %broadcast_in_dim3A_40 = vector.broadcast %jit3A : i32 to vector<8x8192xi32>
      %select_n3A = arith.select %lt3A_39, %get3A_32, %broadcast_in_dim3A_40 : vector<8x8192xi1>, vector<8x8192xi32>
      %reduce_max3A = vector.shape_cast %select_n3A : vector<8x8192xi32> to vector<1x8x8192xi32>
      %reduce_max3A_41 = arith.constant dense<-2147483648> : vector<1xi32>
      %reduce_max3A_42 = vector.multi_reduction <maxsi>, %reduce_max3A, %reduce_max3A_41 [1, 2] : vector<1x8x8192xi32> to vector<1xi32>
      %reduce_max3A_43 = vector.shape_cast %reduce_max3A_42 : vector<1xi32> to vector<1x1x1xi32>
      %reduce_max3A_44 = vector.extract %reduce_max3A_43[0, 0, 0] : i32 from vector<1x1x1xi32>
      %ge3A_45 = arith.constant 67 : i32
      %ge3A_46 = arith.cmpi sge, %reduce_sum3A_38, %ge3A_45 : i32
      %select_n3A_47 = arith.select %ge3A_46, %scan3A_28, %reduce_max3A_44 : i32
      %broadcast_in_dim3A_48 = vector.broadcast %select_n3A_47 : i32 to vector<8x128xi32>
      %bitcast_convert_type3A_49 = tpu.bitcast %broadcast_in_dim3A_48 : vector<8x128xi32> -> vector<8x128xf32>
      %broadcast_in_dim3A_50 = vector.broadcast %scan3A_28 : i32 to vector<8x128xi32>
      %bitcast_convert_type3A_51 = tpu.bitcast %broadcast_in_dim3A_50 : vector<8x128xi32> -> vector<8x128xf32>
      %mul3A_52 = arith.constant 0.53515625 : f32
      %mul3A_53 = vector.broadcast %mul3A_52 : f32 to vector<8x128xf32>
      %mul3A_54 = arith.mulf %bitcast_convert_type3A_49, %mul3A_53 : vector<8x128xf32>
      %mul3A_55 = arith.constant 0.46484375 : f32
      %mul3A_56 = vector.broadcast %mul3A_55 : f32 to vector<8x128xf32>
      %mul3A_57 = arith.mulf %bitcast_convert_type3A_51, %mul3A_56 : vector<8x128xf32>
      %add3A_58 = arith.addf %mul3A_54, %mul3A_57 : vector<8x128xf32>
      %reduce_max3A_59 = vector.shape_cast %add3A_58 : vector<8x128xf32> to vector<1x8x128xf32>
      %reduce_max3A_60 = arith.constant dense<0xFF800000> : vector<1xf32>
      %reduce_max3A_61 = vector.multi_reduction <maximumf>, %reduce_max3A_59, %reduce_max3A_60 [1, 2] : vector<1x8x128xf32> to vector<1xf32>
      %reduce_max3A_62 = vector.shape_cast %reduce_max3A_61 : vector<1xf32> to vector<1x1x1xf32>
      %reduce_max3A_63 = vector.extract %reduce_max3A_62[0, 0, 0] : f32 from vector<1x1x1xf32>
      %get3A_64 = arith.constant 0 : index
      %get3A_65 = arith.constant 0 : index
      %get3A_66 = vector.load %arg6[%get3A_64, %get3A_65] : memref<1x16384xf32, #tpu.memory_space<vmem>>, vector<1x16384xf32>
      %abs3A_67 = math.absf %get3A_66 : vector<1x16384xf32>
      %gt3A = vector.broadcast %reduce_max3A_63 : f32 to vector<1x16384xf32>
      %gt3A_68 = arith.cmpf ogt, %abs3A_67, %gt3A : vector<1x16384xf32>
      %jit3A_69 = arith.constant 0.000000e+00 : f32
      %broadcast_in_dim3A_70 = vector.broadcast %jit3A_69 : f32 to vector<1x16384xf32>
      %select_n3A_71 = arith.select %gt3A_68, %get3A_66, %broadcast_in_dim3A_70 : vector<1x16384xi1>, vector<1x16384xf32>
      %swap3A_72 = arith.constant 0 : index
      %swap3A_73 = arith.constant 0 : index
      %swap3A_74 = vector.load %arg4[%swap3A_72, %swap3A_73] : memref<1x16384xf32, #tpu.memory_space<vmem>>, vector<1x16384xf32>
      tpu.vector_store %arg4[%swap3A_72, %swap3A_73], %select_n3A_71 {strides = array<i32>} : memref<1x16384xf32, #tpu.memory_space<vmem>>, vector<1x16384xf32>,
    } else {
    }
    return
  }
  func.func @transform_0(%arg0: i32) -> (i32, i32) {
    %c0_i32 = arith.constant 0 : i32
    %c0_i32_0 = arith.constant 0 : i32
    %c0_i32_1 = arith.constant 0 : i32
    return %c0_i32, %c0_i32_0 : i32, i32
  }
  func.func @transform_1(%arg0: i32) -> (i32, i32) {
    %c0_i32 = arith.constant 0 : i32
    %c0_i32_0 = arith.constant 0 : i32
    return %arg0, %c0_i32 : i32, i32
  }
  func.func @transform_2(%arg0: i32) -> i32 {
    %c0_i32 = arith.constant 0 : i32
    return %arg0 : i32
  }
  func.func @transform_3(%arg0: i32) -> (i32, i32) {
    %c0_i32 = arith.constant 0 : i32
    %c0_i32_0 = arith.constant 0 : i32
    %c0_i32_1 = arith.constant 0 : i32
    return %c0_i32, %c0_i32_0 : i32, i32
  }
}

module attributes {stable_mosaic.version = 14 : i64} {
  func.func @_fin_body(%arg0: memref<1x16384xf32, #tpu.memory_space<vmem>>, %arg1: memref<32x16384xf32, #tpu.memory_space<vmem>>, %arg2: memref<1x16384xf32, #tpu.memory_space<vmem>>) attributes {dimension_semantics = [], scalar_prefetch = 0 : i64, scratch_operands = 0 : i64, tpu.core_type = #tpu.core_type<tc>} {
    %get3A = arith.constant 0 : index
    %get3A_0 = arith.constant 0 : index
    %get3A_1 = vector.load %arg1[%get3A, %get3A_0] : memref<32x16384xf32, #tpu.memory_space<vmem>>, vector<32x16384xf32>
    %reduce_sum3A = arith.constant dense<0.000000e+00> : vector<16384xf32>
    %reduce_sum3A_2 = vector.multi_reduction <add>, %get3A_1, %reduce_sum3A [0] : vector<32x16384xf32> to vector<16384xf32>
    %broadcast_in_dim3A = vector.shape_cast %reduce_sum3A_2 : vector<16384xf32> to vector<1x16384xf32>
    %get3A_3 = arith.constant 0 : index
    %get3A_4 = arith.constant 0 : index
    %get3A_5 = vector.load %arg0[%get3A_3, %get3A_4] : memref<1x16384xf32, #tpu.memory_space<vmem>>, vector<1x16384xf32>
    %mul3A = arith.constant 1.000000e-01 : f32
    %mul3A_6 = vector.broadcast %mul3A : f32 to vector<1x16384xf32>
    %mul3A_7 = arith.mulf %mul3A_6, %broadcast_in_dim3A : vector<1x16384xf32>
    %add3A = arith.addf %get3A_5, %mul3A_7 : vector<1x16384xf32>
    %mul3A_8 = arith.constant 5.000000e-01 : f32
    %mul3A_9 = vector.broadcast %mul3A_8 : f32 to vector<1x16384xf32>
    %mul3A_10 = arith.mulf %mul3A_9, %add3A : vector<1x16384xf32>
    %mul3A_11 = arith.constant 0.707106769 : f32
    %mul3A_12 = vector.broadcast %mul3A_11 : f32 to vector<1x16384xf32>
    %mul3A_13 = arith.mulf %add3A, %mul3A_12 : vector<1x16384xf32>
    %erf3A = math.erf %mul3A_13 : vector<1x16384xf32>
    %add3A_14 = arith.constant 1.000000e+00 : f32
    %add3A_15 = vector.broadcast %add3A_14 : f32 to vector<1x16384xf32>
    %add3A_16 = arith.addf %add3A_15, %erf3A : vector<1x16384xf32>
    %mul3A_17 = arith.mulf %mul3A_10, %add3A_16 : vector<1x16384xf32>
    %swap3A = arith.constant 0 : index
    %swap3A_18 = arith.constant 0 : index
    %swap3A_19 = vector.load %arg2[%swap3A, %swap3A_18] : memref<1x16384xf32, #tpu.memory_space<vmem>>, vector<1x16384xf32>
    tpu.vector_store %arg2[%swap3A, %swap3A_18], %mul3A_17 {strides = array<i32>} : memref<1x16384xf32, #tpu.memory_space<vmem>>, vector<1x16384xf32>,
    return
  }
}

</mosaic_0001>

<sc_bundles>
// kernel: kernel.5.cloned.1.call-start
scs
__scs_entry_jumppad:
0x0: {  	(pc) =	sbr.rel $0x88, $3  }
0x1: {  	(tag) =	ssettag $0x0;
	lr =	simm.s32 $0x1  }
0x2: {  	[smem:$0x3F9C] =	sst lr;
	_ =	strace $0xD0000000  }
0x3: {  	_ = 	snop  }
0x4: {  	_ = 	snop  }
0x5: {  	_ = 	snop  }
0x6: {  	_ = 	snop  }
0x7: {  	_ = 	snop  }
__scs_overlays_trampoline_lowered:
0x8: {  	[smem:$0x3FAB] =	sst s0  }
0x9: {  	[smem:$0x3FAC] =	sst s1  }
0xa: {  	[smem:$0x3FAD] =	sst s2  }
0xb: {  	[smem:$0x3FAE] =	sst s3  }
0xc: {  	[smem:$0x3FAF] =	sst s4  }
0xd: {  	[smem:$0x3FB0] =	sst s5  }
0xe: {  	[smem:$0x3FB1] =	sst s6  }
0xf: {  	[smem:$0x3FB2] =	sst s7  }
0x10: {  	[smem:$0x3FB3] =	sst s8  }
0x11: {  	[smem:$0x3FB4] =	sst s9;
	s0 =	simm.s32 @!p0 $0x0  }
0x12: {  	s1 =	sld [smem:$0x3F9A];
	s0 =	simm.s32 @p0 $0x1  }
0x13: {  	[smem:$0x3FB5] =	sst s0;
	s0 =	simm.s32 @!p1 $0x0  }
0x14: {  	s2 =	sld [smem:$0x3F99];
	s0 =	simm.s32 @p1 $0x1  }
0x15: {  	[smem:$0x3FB6] =	sst s0;
	s0 =	simm.s32 @!p2 $0x0  }
0x16: {  	s3 =	sld [smem:$0x3FDB];
	s0 =	simm.s32 @p2 $0x1  }
0x17: {  	s4 =	simm.s32 $0x1BF5;
	[smem:$0x3FB8] =	sst s0  }
0x18: {  	s0 =	sld [smem:$0x3F9B];
	_ =	swait.ge [sflag:s4], $0x0  }
0x19: {  	s7 =	sld [smem:$0x3F9C]  }
0x1a: {  	s8 =	sadd.s32 $0xFFFFE003, lr  }
0x1b: {  	s9 =	sadd.s32 $0xFFFFFEF7, lr;
	s5 =	simm.s32 $0xFFFFFFFF;
	p2 =	slt.u32 s8, $0xFFFFF086  }
0x1c: {  	p1 =	slt.u32 s9, $0xF7A;
	s5 =	simm.s32 @!p2 $0x0  }
0x1d: {  	s5 =	simm.s32 @p1 $0x1;
	p0 =	seq.s32 s7, s2  }
0x1e: {  	s7 =	smul.u32 @!p0 $0xF7A, s2;
	p2 =	seq.s32 @!p0 s5, $0x0  }
0x1f: {  	s9 =	smul.u32 $0xF7A, s1;
	s8 =	simm.s32 @!p0 $0x1BF5;
	p2 =	por !p2, p0  }
0x20: {  	[sflag:s8] =	ssyncset.s32 @!p0 $0xFFFFF086;
	s6 =	sadd.s32 @!p0 s3, s7;
	s7 =	simm.s32 @!p0 $0x108  }
0x21: {  	s3 =	sadd.s32 s3, s9;
	s6 =	sadd.s32 @!p0 $0x88, s6;
	s7 =	simm.s32 @p2 $0x1082  }
0x22: {  	[simem:s7], [sflag:s8] =	dma.local @!p0 [hbm:s6], $0xF7A  }
0x23: {  	s9 =	sor.u32 $0xD0000000, s2;
	s6 =	simm.s32 $0x108;
	_ =	swait.ge @!p0 [sflag:s8], $0x0  }
0x24: {  	s3 =	sadd.s32 $0x88, s3;
	s6 =	simm.s32 @!p1 $0x1082;
	[sflag:s4] =	ssyncset.s32 $0xFFFFF086  }
0x25: {  	[simem:s6], [sflag:s4] =	dma.local [hbm:s3], $0xF7A  }
0x26: {  	[smem:$0x3F9C] =	sst s1;
	(tag) =	ssettag s2;
	_ =	strace s9  }
0x27: {  	s1 =	sld [smem:$0x3FAC]  }
0x28: {  	s2 =	sld [smem:$0x3FAD]  }
0x29: {  	s4 =	sld [smem:$0x3FAF]  }
0x2a: {  	p0 =	seq.s32 s5, $0x0;
	s5 =	sld [smem:$0x3FB0]  }
0x2b: {  	s6 =	sld [smem:$0x3FB1]  }
0x2c: {  	s7 =	sld [smem:$0x3FB2]  }
0x2d: {  	s3 =	simm.s32 $0x108;
	s8 =	sld [smem:$0x3FB3]  }
0x2e: {  	s3 =	simm.s32 @!p0 $0x1082;
	s9 =	sld [smem:$0x3FB4]  }
0x2f: {  	lr =	sadd.s32 s0, s3;
	s0 =	sld [smem:$0x3FAB]  }
0x30: {  	s3 =	sld [smem:$0x3FAE]  }
0x31: {  	[smem:$0x3FB7] =	sst s10  }
0x32: {  	s10 =	sld [smem:$0x3FB5];
	_ =	sdelay $0x3  }
0x33: {  	p0 =	seq.s32 s10, $0x1;
	s10 =	sld [smem:$0x3FB7];
	_ =	sdelay $0x3  }
0x34: {  	[smem:$0x3FB7] =	sst s10  }
0x35: {  	s10 =	sld [smem:$0x3FB6];
	_ =	sdelay $0x3  }
0x36: {  	p1 =	seq.s32 s10, $0x1;
	s10 =	sld [smem:$0x3FB7];
	_ =	sdelay $0x3  }
0x37: {  	[smem:$0x3FB7] =	sst s10  }
0x38: {  	s10 =	sld [smem:$0x3FB8]  }
0x39: {  	_ = 	snop;
	(pc) =	sbr.ind lr, $3  }
0x3a: {  	_ = 	snop  }
0x3b: {  	_ = 	snop  }
0x3c: {  	p2 =	seq.s32 s10, $0x1;
	s10 =	sld [smem:$0x3FB7]  }
0x3d: {  	_ =	shalt  }
0x3e: {  	_ =	shalt  }
0x3f: {  	_ =	shalt  }
0x40: {  	_ =	shalt  }
0x41: {  	_ =	shalt  }
0x42: {  	_ =	shalt  }
0x43: {  	_ =	shalt  }
0x44: {  	_ =	shalt  }
0x45: {  	_ =	shalt  }
0x46: {  	_ =	shalt  }
0x47: {  	_ =	shalt  }
0x48: {  	_ =	shalt  }
0x49: {  	_ =	shalt  }
0x4a: {  	_ =	shalt  }
0x4b: {  	_ =	shalt  }
0x4c: {  	_ =	shalt  }
0x4d: {  	_ =	shalt  }
0x4e: {  	_ =	shalt  }
0x4f: {  	_ =	shalt  }
0x50: {  	_ =	shalt  }
0x51: {  	_ =	shalt  }
0x52: {  	_ =	shalt  }
0x53: {  	_ =	shalt  }
0x54: {  	_ =	shalt  }
0x55: {  	_ =	shalt  }
0x56: {  	_ =	shalt  }
0x57: {  	_ =	shalt  }
0x58: {  	_ =	shalt  }
0x59: {  	_ =	shalt  }
0x5a: {  	_ =	shalt  }
0x5b: {  	_ =	shalt  }
0x5c: {  	_ =	shalt  }
0x5d: {  	_ =	shalt  }
0x5e: {  	_ =	shalt  }
0x5f: {  	_ =	shalt  }
0x60: {  	_ =	shalt  }
0x61: {  	_ =	shalt  }
0x62: {  	_ =	shalt  }
0x63: {  	_ =	shalt  }
0x64: {  	_ =	shalt  }
0x65: {  	_ =	shalt  }
0x66: {  	_ =	shalt  }
0x67: {  	_ =	shalt  }
0x68: {  	_ =	shalt  }
0x69: {  	_ =	shalt  }
0x6a: {  	_ =	shalt  }
0x6b: {  	_ =	shalt  }
0x6c: {  	_ =	shalt  }
0x6d: {  	_ =	shalt  }
0x6e: {  	_ =	shalt  }
0x6f: {  	_ =	shalt  }
0x70: {  	_ =	shalt  }
0x71: {  	_ =	shalt  }
0x72: {  	_ =	shalt  }
0x73: {  	_ =	shalt  }
0x74: {  	_ =	shalt  }
0x75: {  	_ =	shalt  }
0x76: {  	_ =	shalt  }
0x77: {  	_ =	shalt  }
0x78: {  	_ =	shalt  }
0x79: {  	_ =	shalt  }
0x7a: {  	_ =	shalt  }
0x7b: {  	_ =	shalt  }
0x7c: {  	_ =	shalt  }
0x7d: {  	_ =	shalt  }
0x7e: {  	_ =	shalt  }
0x7f: {  	_ =	shalt  }
0x80: {  	_ =	shalt  }
0x81: {  	_ =	shalt  }
0x82: {  	_ =	shalt  }
0x83: {  	_ =	shalt  }
0x84: {  	_ =	shalt  }
0x85: {  	_ =	shalt  }
0x86: {  	_ =	shalt  }
0x87: {  	_ =	shalt  }
.Lfunc_end0:
.L_simem_size_0:
called_computation_lowered:
.L_overlay_start_0:
0x88: {  	s2 =	sld [smem:$0x3FD9]  }
0x89: {  	s3 =	sld [smem:$0x3FFE];
	_ =	sdelay $0x1  }
0x8a: {  	s1 =	srdreg.scid  }
0x8b: {  	s0 =	sand.u32 $0x1, s1  }
0x8c: {  	s17 =	sshll.u32 s0, $0xA;
	s2 =	sadd.s32 s3, s2  }
0x8d: {  	s2 =	sadd.s32 s2, s17  }
0x8e: {  	[smem:$0x3FC3] =	sst s2  }
0x8f: {  	_ = 	snop  }
0x90: {  	s2 =	sld [smem:$0x3FC6]  }
0x91: {  	s18 =	sld [smem:$0x3FD0];
	(tm) =	ssettm $0x1  }
0x92: {  	s4 =	sld [smem:$0x3FFB];
	_ =	sdelay $0x3  }
0x93: {  	_ =	strace s4  }
0x94: {  	s4 =	sld [smem:$0x3FFC];
	_ =	sdelay $0x3  }
0x95: {  	_ =	strace s4  }
0x96: {  	s4 =	sld [smem:$0x3FFD];
	_ =	sdelay $0x3  }
0x97: {  	_ =	strace s4  }
0x98: {  	_ =	strace $0x8FFFFFFF  }
0x99: {  	s19 =	sld [smem:$0x3FDB];
	_ =	sdelay $0x1  }
0x9a: {  	s5 =	simm.s32 $_scs_section_size  }
0x9b: {  	s6 =	simm.s32 $_size__tile_overlayer_lowered;
	s7 =	simm.s32 $_tile_overlayer_lowered  }
0x9c: {  	s22 =	simm.s32 $0x1BFF;
	s21 =	sshll.u32 s7, $0x1;
	s4 =	sadd.s32 s5, s19  }
0x9d: {  	s8 =	simm.s32 $0x0;
	s20 =	sshll.u32 s6, $0x1;
	s6 =	sadd.s32 s21, s4  }
0x9e: {  	[timem:s8], [sflag:s22] =	dma.local [hbm:s6], s20  }
0x9f: {  	_ =	swait.ge [sflag:s22], s20  }
0xa0: {  	s5 =	ssub.s32 $0x0, s20;
	[sflag:s22] =	ssyncset.done $0x0  }
0xa1: {  	[sflag:s22] =	ssyncadd.s32 s5;
	_ =	sdelay $0x1  }
0xa2: {  	s23 =	simm.s32 $0x1B8B  }
0xa3: {  	_ =	swait.ge [sflag:s23], $0x1  }
0xa4: {  	[sflag:s23] =	ssyncset.done $0x0  }
0xa5: {  	s25 =	simm.s32 $0x1B8E;
	s24 =	sld [smem:$0x3FFE];
	[sflag:s23] =	ssyncadd.s32 $0xFFFFFFFF  }
0xa6: {  	s26 =	simm.s32 $execute0_lowered;
	[smem:$0x3FD2] =	sst s25  }
0xa7: {  	s6 =	sshll.u32 s26, $0x1;
	_ =	strace $0x80000046;
	[dreg:$0x1] =	wrdreg $0xFFFFFFFF  }
0xa8: {  	s28 =	simm.s32 $_size_execute0_lowered;
	s4 =	sadd.s32 s4, s6;
	[dreg:$0x0] =	wrdreg $0x0  }
0xa9: {  	s6 =	sshll.u32 s28, $0x1;
	[dreg:$0x2] =	wrdreg s4  }
0xaa: {  	[dreg:$0x3] =	wrdreg s6  }
0xab: {  	[dreg:$0x4] =	wrdreg $0xC0  }
0xac: {  	_ =	task [dreg:s8], $0x5FFFF  }
0xad: {  	[dreg:$0x1] =	wrdreg $0xFFFFFFFF  }
0xae: {  	[dreg:$0x0] =	wrdreg $0x60  }
0xaf: {  	[dreg:$0x2] =	wrdreg s18  }
0xb0: {  	[dreg:$0x3] =	wrdreg s24  }
0xb1: {  	[dreg:$0x4] =	wrdreg s2  }
0xb2: {  	[dreg:$0x5] =	wrdreg $0x9  }
0xb3: {  	_ =	task.clear_ibuf [dreg:s8], $0x6FFFF;
	_ =	strace $0x90000046  }
0xb4: {  	s29 =	simm.s32 $0x9;
	_ =	strace $0x80000048  }
0xb5: {  	_ =	swait.ge [sflag:s29], $0x1  }
0xb6: {  	[sflag:s29] =	ssyncadd.s32 $0xFFFFFFFF  }
0xb7: {  	_ =	strace $0x90000048  }
0xb8: {  	_ =	sfence  }
0xb9: {  	s30 =	sld [smem:$0x0];
	_ =	sdelay $0x2  }
0xba: {  	s31 =	sshll.u32 s1, $0xD;
	s1 =	sshrl.u32 s1, $0x2  }
0xbb: {  	s3 =	sand.u32 $0x4000, s31;
	s1 =	sadd.s32 s1, s30  }
0xbc: {  	s0 =	sor.u32 s3, s0;
	s1 =	sshll.u32 s1, $0x11  }
0xbd: {  	s0 =	sor.u32 s1, s0  }
0xbe: {  	s0 =	sadd.s32 $0x8F2B, s0  }
0xbf: {  	[sflag:s0] =	ssyncadd.remote.s32 $0x1  }
0xc0: {  	_ =	sfence.sel $0xFFFF  }
0xc1: {  	[dreg:$0x0] =	wrdreg $0xFFFFFFFF;
	(pc) =	sbr.abs _section_cstart, $3  }
0xc2: {  	[dreg:$0x1] =	wrdreg $0xFFFFFFFF  }
0xc3: {  	_ =	task.clear_ibuf [dreg:s8], $0x2FFFF;
	_ =	strace $0x9FFFFFFF  }
0xc4: {  	(tm) =	ssettm $0x7FFFFFFF  }
0xc5: {  	_ =	shalt  }
tec
execute0_lowered:
.L_overlay_start_1:
0x0: {  	(tag) =	ssettag $0x1  }
0x1: {  	s1 =	rddreg [dreg:$0x0]  }
0x2: {  	s9 =	rddreg [dreg:$0x1];
	s2 =	srdreg.scid  }
0x3: {  	s0 =	stileid.u32;
	s10 =	rddreg [dreg:$0x2];
	s3 =	simm.s32 $0x0  }
0x4: {  	s15 =	simm.s32 $0x4300;
	s16 =	simm.s32 $0x1;
	s17 =	simm.s32 $0xA480  }
0x5: {  	s18 =	simm.s32 $0x80;
	s19 =	simm.s32 $0x400;
	s20 =	simm.s32 $0x2  }
0x6: {  	s21 =	simm.s32 $0x0;
	s4 =	sand.u32 $0x1, s2;
	s2 =	rddreg [dreg:$0x3]  }
0x7: {  	s5 =	sshll.u32 s0, $0x1;
	[smem:$0x7FF] =	sst s3;
	s30 =	sshll.u32 s0, $0xC  }
0x8: {  	s13 =	sor.u32 s4, s5;
	_ =	strace $0x80000047;
	s6 =	ssub.s32 $0x2, s4  }
0x9: {  	s5 =	sand.u32 $0xC000, s30;
	s4 =	sadd.s32 $0x11400, s9;
	s7 =	smul.u32 $0x418, s13  }
0xa: {  	s11 =	sshrl.u32 s6, $0x1;
	s12 =	sadd.s32 s5, s9;
	s31 =	sshll.u32 s13, $0x4  }
0xb: {  	p0 =	sne.s32 s13, $0x1F;
	s13 =	simm.s32 $0x6480;
	s14 =	ssub.s32 s6, s11  }
0xc: {  	s11 =	sand.u32 $0x70, s31;
	s8 =	sadd.s32 s7, s9;
	s7 =	sadd.s32 s10, s7  }
0xd: {  	s10 =	sadd.s32 $0x8300, s10;
	s11 =	sadd.s32 s11, s12;
	s12 =	smax.u32 s14, $0x1  }
0xe: {  	s14 =	simm.s32 $0x2180;
	s5 =	sadd.s32 $0x9000, s8;
	s6 =	sadd.s32 $0xC00, s8  }
0xf: {  	v0 =	vimm.s32 $0x0;
	v1 =	vimm.f32 $0.0e+00;
	s8 =	sadd.s32 $0x11300, s9;
	s9 =	sadd.s32 $0x8F00, s9;
	s11 =	sadd.s32 $0x11600, s11  }
.LBB2_1:
0x10: {  	[tilespmem:s13], [sflag:$0x1] =	stream.linear.gather [hbm4b:s1+s3], $0x4000, $0x38;
	[tilespmem:$0xE500] =	vst v63  }
0x11: {  	_ = 	snop  }
0x12: {  	[tilespmem:s3], [sflag:$0x1] =	stream.linear.gather [hbm4b:s5+s3], $0x20C0, $0x38;
	[tilespmem:$0xE500] =	vst v63  }
0x13: {  	_ = 	snop  }
0x14: {  	[tilespmem:s14], [sflag:$0x1] =	stream.linear.gather [hbm4b:s6+s3], $0x20C0, $0x38;
	[tilespmem:$0xE500] =	vst v63  }
0x15: {  	_ = 	snop  }
0x16: {  	[tilespmem:s15], [sflag:$0x1] =	stream.linear.gather [hbm4b:s7+s3], $0x20C0, $0x38;
	[tilespmem:$0xE500] =	vst v63  }
0x17: {  	[tilespmem:$0x20C0] =	vst v0  }
0x18: {  	[tilespmem:$0x4240] =	vst v0  }
0x19: {  	[tilespmem:$0x63C0] =	vst v1  }
0x1a: {  	[tilespmem:$0x20D0] =	vst v0  }
0x1b: {  	[tilespmem:$0x4250] =	vst v0  }
0x1c: {  	[tilespmem:$0x63D0] =	vst v1  }
0x1d: {  	[tilespmem:$0x20E0] =	vst v0  }
0x1e: {  	[tilespmem:$0x4260] =	vst v0  }
0x1f: {  	[tilespmem:$0x63E0] =	vst v1  }
0x20: {  	[tilespmem:$0x20F0] =	vst v0  }
0x21: {  	[tilespmem:$0x4270] =	vst v0  }
0x22: {  	[tilespmem:$0x63F0] =	vst v1  }
0x23: {  	[tilespmem:$0x2100] =	vst v0  }
0x24: {  	[tilespmem:$0x4280] =	vst v0  }
0x25: {  	[tilespmem:$0x6400] =	vst v1  }
0x26: {  	[tilespmem:$0x2110] =	vst v0  }
0x27: {  	[tilespmem:$0x4290] =	vst v0  }
0x28: {  	[tilespmem:$0x6410] =	vst v1  }
0x29: {  	[tilespmem:$0x2120] =	vst v0  }
0x2a: {  	[tilespmem:$0x42A0] =	vst v0  }
0x2b: {  	[tilespmem:$0x6420] =	vst v1  }
0x2c: {  	[tilespmem:$0x2130] =	vst v0  }
0x2d: {  	[tilespmem:$0x42B0] =	vst v0  }
0x2e: {  	[tilespmem:$0x6430] =	vst v1  }
0x2f: {  	[tilespmem:$0x2140] =	vst v0  }
0x30: {  	[tilespmem:$0x42C0] =	vst v0  }
0x31: {  	[tilespmem:$0x6440] =	vst v1  }
0x32: {  	[tilespmem:$0x2150] =	vst v0  }
0x33: {  	[tilespmem:$0x42D0] =	vst v0  }
0x34: {  	s22 =	simm.s32 @!p0 $0x0;
	s23 =	simm.s32 @!p0 $0x20C0;
	[tilespmem:$0x6450] =	vst v1  }
0x35: {  	[tilespmem:s23], [sflag:$0x2] =	stream.linear.gather @!p0 [hbm4b:s8+s22], $0x90, $0x38;
	[tilespmem:$0xE500] =	vst v63  }
0x36: {  	s23 =	simm.s32 @!p0 $0x2  }
0x37: {  	_ =	swait.ge @!p0 [sflag:s23], $0x90  }
0x38: {  	[sflag:s23] =	ssyncset.done @!p0 $0x0  }
0x39: {  	s24 =	simm.s32 @!p0 $0x4240;
	[sflag:s23] =	ssyncadd.s32 @!p0 $0xFFFFFF70  }
0x3a: {  	[tilespmem:s24], [sflag:$0x2] =	stream.linear.gather @!p0 [hbm4b:s9+s22], $0x90, $0x38;
	[tilespmem:$0xE500] =	vst v63  }
0x3b: {  	_ =	swait.ge @!p0 [sflag:s23], $0x90  }
0x3c: {  	[sflag:s23] =	ssyncset.done @!p0 $0x0  }
0x3d: {  	s24 =	simm.s32 @!p0 $0x63C0;
	[sflag:s23] =	ssyncadd.s32 @!p0 $0xFFFFFF70  }
0x3e: {  	[tilespmem:s24], [sflag:$0x2] =	stream.linear.gather @!p0 [hbm4b:s10+s22], $0x90, $0x38;
	[tilespmem:$0xE500] =	vst v63  }
0x3f: {  	_ =	swait.ge @!p0 [sflag:s23], $0x90  }
0x40: {  	[sflag:s23] =	ssyncset.done @!p0 $0x0  }
0x41: {  	s24 =	simm.s32 @!p0 $0xE480;
	[sflag:s23] =	ssyncadd.s32 @!p0 $0xFFFFFF70  }
0x42: {  	[tilespmem:s24], [sflag:$0x2] =	stream.linear.gather @!p0 [hbm4b:s4+s22], $0x80, $0x38;
	[tilespmem:$0xE500] =	vst v63  }
0x43: {  	_ =	swait.ge @!p0 [sflag:s23], $0x80  }
0x44: {  	[sflag:s23] =	ssyncset.done @!p0 $0x0  }
0x45: {  	[sflag:s23] =	ssyncadd.s32 @!p0 $0xFFFFFF80  }
0x46: {  	v2 =	vld @!p0 [tilespmem:$0xE480]  }
0x47: {  	v3 =	vld @!p0 [tilespmem:$0xE490]  }
0x48: {  	v4 =	vld @!p0 [tilespmem:$0xE4A0];
	_ =	sdelay $0x2  }
0x49: {  	[tilespmem:$0x2150] =	vst @!p0 v2  }
0x4a: {  	[tilespmem:$0x42D0] =	vst @!p0 v3  }
0x4b: {  	s22 =	simm.s32 $0xA4C0;
	[tilespmem:$0x6450] =	vst @!p0 v4  }
0x4c: {  	[tilespmem:s22+$0xFFFFFFC0] =	vst v1  }
0x4d: {  	[tilespmem:s22+$0x30] =	vst v1  }
0x4e: {  	[tilespmem:s22+$0x20] =	vst v1  }
0x4f: {  	[tilespmem:s22+$0x10] =	vst v1  }
0x50: {  	[tilespmem:s22+$0x0] =	vst v1  }
0x51: {  	[tilespmem:s22+$0xFFFFFFF0] =	vst v1  }
0x52: {  	s23 =	simm.s32 $0x0;
	[tilespmem:s22+$0xFFFFFFE0] =	vst v1  }
.LBB2_2:
0x53: {  	s23 =	sadd.s32 $0x8, s23;
	[tilespmem:s22+$0xFFFFFFD0] =	vst v1;
	s22 =	sadd.s32 $0x80, s22  }
0x54: {  	[tilespmem:s22+$0xFFFFFFC0] =	vst v1;
	p1 =	slt.u32 s23, $0x3F8  }
0x55: {  	[tilespmem:s22+$0x30] =	vst v1  }
.Ltmp0:
0x56: {  	[tilespmem:s22+$0x20] =	vst v1;
	(pc) =	sbr.rel @p1 .LBB2_2-.Ltmp0, $4  }
0x57: {  	[tilespmem:s22+$0x10] =	vst v1  }
0x58: {  	[tilespmem:s22+$0x0] =	vst v1  }
0x59: {  	[tilespmem:s22+$0xFFFFFFF0] =	vst v1  }
0x5a: {  	[tilespmem:s22+$0xFFFFFFE0] =	vst v1  }
0x5b: {  	[tilespmem:s22+$0xFFFFFFD0] =	vst v1  }
0x5c: {  	_ =	swait.ge [sflag:s16], $0x4000  }
0x5d: {  	[sflag:s16] =	ssyncset.done $0x0  }
0x5e: {  	[sflag:s16] =	ssyncadd.s32 $0xFFFFC000  }
0x5f: {  	_ =	swait.ge [sflag:s16], $0x20C0  }
0x60: {  	[sflag:s16] =	ssyncset.done $0x0  }
0x61: {  	[sflag:s16] =	ssyncadd.s32 $0xFFFFDF40  }
0x62: {  	_ =	swait.ge [sflag:s16], $0x20C0  }
0x63: {  	[sflag:s16] =	ssyncset.done $0x0  }
0x64: {  	[sflag:s16] =	ssyncadd.s32 $0xFFFFDF40  }
0x65: {  	_ =	swait.ge [sflag:s16], $0x20C0  }
0x66: {  	s22 =	simm.s32 $0xFFFFFFF8;
	s23 =	simm.s32 $0x21C0;
	[sflag:s16] =	ssyncset.done $0x0  }
0x67: {  	s24 =	simm.s32 $0x4340;
	s25 =	simm.s32 $0x40;
	[sflag:s16] =	ssyncadd.s32 $0xFFFFDF40  }
.LBB2_4:
0x68: {  	v2 =	vld [tilespmem:s23+$0xFFFFFFC0];
	_ =	sdelay $0x5  }
0x69: {  	v3 =	vld [tilespmem:s25+$0xFFFFFFC0]  }
0x6a: {  	v4 =	vld [tilespmem:s24+$0xFFFFFFC0]  }
0x6b: {  	v2 =	vld.idx.msk [tilespmem:v2+s13+$0x0], $0xffff;
	_ =	sdelay $0x4  }
0x6c: {  	v2 =	vmul.f32 v4, v2;
	_ =	sdelay $0x1  }
0x6d: {  	[tilespmem:v3+s17+$0x0] =	vst.idx.add.f32.msk $0xffff, v2  }
0x6e: {  	v2 =	vld [tilespmem:s23+$0xFFFFFFD0];
	_ =	sdelay $0x5  }
0x6f: {  	v3 =	vld [tilespmem:s25+$0xFFFFFFD0]  }
0x70: {  	v57 =	vld [tilespmem:s24+$0xFFFFFFD0]  }
0x71: {  	v2 =	vld.idx.msk [tilespmem:v2+s13+$0x0], $0xffff;
	_ =	sdelay $0x4  }
0x72: {  	v2 =	vmul.f32 v57, v2;
	_ =	sdelay $0x1  }
0x73: {  	[tilespmem:v3+s17+$0x0] =	vst.idx.add.f32.msk $0xffff, v2  }
0x74: {  	v2 =	vld [tilespmem:s23+$0xFFFFFFE0];
	_ =	sdelay $0x5  }
0x75: {  	v3 =	vld [tilespmem:s25+$0xFFFFFFE0]  }
0x76: {  	v58 =	vld [tilespmem:s24+$0xFFFFFFE0]  }
0x77: {  	v2 =	vld.idx.msk [tilespmem:v2+s13+$0x0], $0xffff;
	_ =	sdelay $0x4  }
0x78: {  	v2 =	vmul.f32 v58, v2;
	_ =	sdelay $0x1  }
0x79: {  	[tilespmem:v3+s17+$0x0] =	vst.idx.add.f32.msk $0xffff, v2  }
0x7a: {  	v2 =	vld [tilespmem:s23+$0xFFFFFFF0];
	_ =	sdelay $0x5  }
0x7b: {  	v3 =	vld [tilespmem:s25+$0xFFFFFFF0]  }
0x7c: {  	v59 =	vld [tilespmem:s24+$0xFFFFFFF0]  }
0x7d: {  	v2 =	vld.idx.msk [tilespmem:v2+s13+$0x0], $0xffff;
	_ =	sdelay $0x4  }
0x7e: {  	v2 =	vmul.f32 v59, v2;
	_ =	sdelay $0x1  }
0x7f: {  	[tilespmem:v3+s17+$0x0] =	vst.idx.add.f32.msk $0xffff, v2  }
0x80: {  	v2 =	vld [tilespmem:s23+$0x0];
	_ =	sdelay $0x5  }
0x81: {  	v3 =	vld [tilespmem:s25+$0x0]  }
0x82: {  	v60 =	vld [tilespmem:s24+$0x0]  }
0x83: {  	v2 =	vld.idx.msk [tilespmem:v2+s13+$0x0], $0xffff;
	_ =	sdelay $0x4  }
0x84: {  	v2 =	vmul.f32 v60, v2;
	_ =	sdelay $0x1  }
0x85: {  	[tilespmem:v3+s17+$0x0] =	vst.idx.add.f32.msk $0xffff, v2  }
0x86: {  	v2 =	vld [tilespmem:s23+$0x10];
	_ =	sdelay $0x5  }
0x87: {  	v3 =	vld [tilespmem:s25+$0x10]  }
0x88: {  	v61 =	vld [tilespmem:s24+$0x10]  }
0x89: {  	v2 =	vld.idx.msk [tilespmem:v2+s13+$0x0], $0xffff;
	_ =	sdelay $0x4  }
0x8a: {  	v2 =	vmul.f32 v61, v2;
	_ =	sdelay $0x1  }
0x8b: {  	[tilespmem:v3+s17+$0x0] =	vst.idx.add.f32.msk $0xffff, v2  }
0x8c: {  	v2 =	vld [tilespmem:s23+$0x20];
	_ =	sdelay $0x5  }
0x8d: {  	v3 =	vld [tilespmem:s25+$0x20]  }
0x8e: {  	v62 =	vld [tilespmem:s24+$0x20]  }
0x8f: {  	v2 =	vld.idx.msk [tilespmem:v2+s13+$0x0], $0xffff;
	_ =	sdelay $0x4  }
0x90: {  	v2 =	vmul.f32 v62, v2;
	_ =	sdelay $0x1  }
0x91: {  	[tilespmem:v3+s17+$0x0] =	vst.idx.add.f32.msk $0xffff, v2  }
0x92: {  	v2 =	vld [tilespmem:s23+$0x30];
	_ =	sdelay $0x5  }
0x93: {  	v3 =	vld [tilespmem:s25+$0x30]  }
0x94: {  	v63 =	vld [tilespmem:s24+$0x30]  }
0x95: {  	v2 =	vld.idx.msk [tilespmem:v2+s13+$0x0], $0xffff  }
0x96: {  	s22 =	sadd.s32 $0x8, s22  }
0x97: {  	p1 =	slt.u32 s22, $0x208  }
.Ltmp1:
0x98: {  	_ = 	snop;
	(pc) =	sbr.rel @p1 .LBB2_4-.Ltmp1, $3  }
0x99: {  	_ = 	snop  }
0x9a: {  	v2 =	vmul.f32 v63, v2;
	_ =	sdelay $0x1  }
0x9b: {  	s23 =	sadd.s32 $0x80, s23;
	s24 =	sadd.s32 $0x80, s24;
	s25 =	sadd.s32 $0x80, s25;
	[tilespmem:v3+s17+$0x0] =	vst.idx.add.f32.msk $0xffff, v2  }
0x9c: {  	v2 =	vld [tilespmem:$0x4280];
	_ =	sdelay $0x5  }
0x9d: {  	v3 =	vld [tilespmem:$0x2100]  }
0x9e: {  	v4 =	vld [tilespmem:$0x6400]  }
0x9f: {  	v2 =	vld.idx.msk [tilespmem:v2+s13+$0x0], $0xffff;
	_ =	sdelay $0x4  }
0xa0: {  	v2 =	vmul.f32 v4, v2;
	_ =	sdelay $0x1  }
0xa1: {  	[tilespmem:v3+s17+$0x0] =	vst.idx.add.f32.msk $0xffff, v2  }
0xa2: {  	v2 =	vld [tilespmem:$0x4290];
	_ =	sdelay $0x5  }
0xa3: {  	v3 =	vld [tilespmem:$0x2110]  }
0xa4: {  	v59 =	vld [tilespmem:$0x6410]  }
0xa5: {  	v2 =	vld.idx.msk [tilespmem:v2+s13+$0x0], $0xffff;
	_ =	sdelay $0x4  }
0xa6: {  	v2 =	vmul.f32 v59, v2;
	_ =	sdelay $0x1  }
0xa7: {  	[tilespmem:v3+s17+$0x0] =	vst.idx.add.f32.msk $0xffff, v2  }
0xa8: {  	v2 =	vld [tilespmem:$0x42A0];
	_ =	sdelay $0x5  }
0xa9: {  	v3 =	vld [tilespmem:$0x2120]  }
0xaa: {  	v60 =	vld [tilespmem:$0x6420]  }
0xab: {  	v2 =	vld.idx.msk [tilespmem:v2+s13+$0x0], $0xffff;
	_ =	sdelay $0x4  }
0xac: {  	v2 =	vmul.f32 v60, v2;
	_ =	sdelay $0x1  }
0xad: {  	[tilespmem:v3+s17+$0x0] =	vst.idx.add.f32.msk $0xffff, v2  }
0xae: {  	v2 =	vld [tilespmem:$0x42B0];
	_ =	sdelay $0x5  }
0xaf: {  	v3 =	vld [tilespmem:$0x2130]  }
0xb0: {  	v61 =	vld [tilespmem:$0x6430]  }
0xb1: {  	v2 =	vld.idx.msk [tilespmem:v2+s13+$0x0], $0xffff;
	_ =	sdelay $0x4  }
0xb2: {  	v2 =	vmul.f32 v61, v2;
	_ =	sdelay $0x1  }
0xb3: {  	[tilespmem:v3+s17+$0x0] =	vst.idx.add.f32.msk $0xffff, v2  }
0xb4: {  	v2 =	vld [tilespmem:$0x42C0];
	_ =	sdelay $0x5  }
0xb5: {  	v3 =	vld [tilespmem:$0x2140]  }
0xb6: {  	v62 =	vld [tilespmem:$0x6440]  }
0xb7: {  	v2 =	vld.idx.msk [tilespmem:v2+s13+$0x0], $0xffff;
	_ =	sdelay $0x4  }
0xb8: {  	v2 =	vmul.f32 v62, v2;
	_ =	sdelay $0x1  }
0xb9: {  	[tilespmem:v3+s17+$0x0] =	vst.idx.add.f32.msk $0xffff, v2  }
0xba: {  	v2 =	vld [tilespmem:$0x42D0];
	_ =	sdelay $0x5  }
0xbb: {  	v3 =	vld [tilespmem:$0x2150]  }
0xbc: {  	v63 =	vld [tilespmem:$0x6450]  }
0xbd: {  	v2 =	vld.idx.msk [tilespmem:v2+s13+$0x0], $0xffff;
	_ =	sdelay $0x4  }
0xbe: {  	s21 =	sadd.s32 $0x1, s21;
	v2 =	vmul.f32 v63, v2  }
0xbf: {  	p1 =	sne.s32 s21, s12  }
.Ltmp2:
0xc0: {  	[tilespmem:v3+s17+$0x0] =	vst.idx.add.f32.msk $0xffff, v2;
	(pc) =	sbr.rel @p1 .LBB2_1-.Ltmp2, $4  }
0xc1: {  	[hbm4b:s11+s18] =	stream.strided.scatter [tilespmem:s17], [sflag:$0x2], $0x4000, s19, s18, $0x38;
	[tilespmem:$0xE500] =	vst v63  }
0xc2: {  	_ =	swait.ge [sflag:s20], $0x4000  }
0xc3: {  	[sflag:s20] =	ssyncset.done $0x0  }
0xc4: {  	[sflag:s20] =	ssyncadd.s32 $0xFFFFC000  }
0xc5: {  	_ =	sfence.sel $0x180000  }
0xc6: {  	[bflag:$0x0] =	sbarrier.arrive $0xFFFF  }
0xc7: {  	p0 =	sne.s32 s0, $0x0;
	_ =	strace $0x90000047  }
0xc8: {  	s0 =	sadd.s32 @!p0 $0x100000, s2;
	[bflag:$0x2] =	sbarrier.arrive $0xFFFF  }
0xc9: {  	[sflag:s0] =	ssyncadd.tile.s32 @!p0 $0x1;
	_ =	shalt  }
.Lfunc_end2:
_tile_overlayer_lowered:
.L_overlay_start_2:
0xca: {  	(tag) =	ssettag $0x2  }
0xcb: {  	s0 =	rddreg [dreg:$0x0];
	s2 =	stileid.u32  }
0xcc: {  	s1 =	rddreg [dreg:$0x1];
	p0 =	sne.s32 s2, $0x0  }
0xcd: {  	s3 =	rddreg [dreg:$0x2];
	[bflag:$0x3] =	sbarrier.arrive $0xFFFF;
	s2 =	simm.s32 @!p0 $0x1C02  }
0xce: {  	[timem:s3], [sflag:s2] =	dma.local @!p0 [hbm:s0], s1  }
0xcf: {  	s0 =	simm.s32 @!p0 $0x2  }
0xd0: {  	_ =	swait.ge @!p0 [sflag:s0], s1  }
0xd1: {  	s1 =	ssub.s32 @!p0 $0x0, s1;
	[sflag:s0] =	ssyncset.done @!p0 $0x0  }
0xd2: {  	[sflag:s0] =	ssyncadd.s32 @!p0 s1  }
0xd3: {  	[bflag:$0x3] =	sbarrier.arrive $0xFFFF  }
0xd4: {  	_ =	shalt  }

</sc_bundles>
